<compile_context>
chip_gen: v7x
topology: tpu7x:2x2x1
jax: 0.10.2.dev20260603
libtpu: 0.0.44.dev20260713+nightly
codegen_flags: <defaults>
</compile_context>

<pallas_src>
import functools

import jax
import jax.numpy as jnp
import numpy as np
from jax import lax
from jax.experimental import pallas as pl
from jax.experimental.pallas import tpu as pltpu
from jax.experimental.pallas import tpu_sc as plsc

_SCALE = np.float32(np.sqrt(3) / 2.0)
_INV_SCALE = np.float32(1.0) / _SCALE
_MAGIC = np.float32(2.0**23)

_N_WORDS = 8388608
_NW = 32
_PER_W = _N_WORDS // _NW
_CHUNK = 16384
_N_CHUNKS = _PER_W // _CHUNK


def _round_rtne(x):
    c = jnp.where(x < 0.0, -_MAGIC, _MAGIC)
    r = (x + c) - c
    return jnp.where(jnp.abs(x) >= _MAGIC, x, r)


def _quant_pair(buf, off):
    va = buf[pl.ds(off, 16)]
    vb = buf[pl.ds(off + 128, 16)]
    ri = _round_rtne(vb * _INV_SCALE)
    y1 = ri * _SCALE
    odd = lax.rem(ri, jnp.float32(2.0)) != 0.0
    t = jnp.where(odd, jnp.float32(0.5), jnp.float32(0.0))
    y0 = _round_rtne(va + t) - t
    buf[pl.ds(off, 16)] = y0
    buf[pl.ds(off + 128, 16)] = y1


def _sc_body(x_hbm, o_hbm, buf0, buf1, sin0, sin1, sout0, sout1):
    wid = lax.axis_index("s") * 2 + lax.axis_index("c")
    base = wid * _PER_W
    bufs = (buf0, buf1)
    sins = (sin0, sin1)
    souts = (sout0, sout1)

    pltpu.async_copy(x_hbm.at[pl.ds(base, _CHUNK)], buf0, sin0)

    def chunk_step(g, carry):
        del carry
        slot = lax.rem(g, 2)

        def run_slot(s):
            buf, sin, sout = bufs[s], sins[s], souts[s]
            pltpu.make_async_copy(x_hbm.at[pl.ds(base, _CHUNK)], buf, sin).wait()

            @pl.when(g + 1 < _N_CHUNKS)
            def _():
                nbuf, nsin, nsout = bufs[1 - s], sins[1 - s], souts[1 - s]

                @pl.when(g >= 1)
                def _():
                    pltpu.make_async_copy(
                        nbuf, o_hbm.at[pl.ds(base, _CHUNK)], nsout
                    ).wait()

                pltpu.async_copy(
                    x_hbm.at[pl.ds(base + (g + 1) * _CHUNK, _CHUNK)], nbuf, nsin
                )

            def blk(b, c2):
                del c2
                off = b * 256
                for j in range(8):
                    _quant_pair(buf, off + j * 16)
                return 0

            lax.fori_loop(0, _CHUNK // 256, blk, 0)
            pltpu.async_copy(buf, o_hbm.at[pl.ds(base + g * _CHUNK, _CHUNK)], sout)

        @pl.when(slot == 0)
        def _():
            run_slot(0)

        @pl.when(slot == 1)
        def _():
            run_slot(1)

        return 0

    lax.fori_loop(0, _N_CHUNKS, chunk_step, 0)
    pltpu.make_async_copy(
        buf0, o_hbm.at[pl.ds(base, _CHUNK)], sout0
    ).wait()
    pltpu.make_async_copy(
        buf1, o_hbm.at[pl.ds(base, _CHUNK)], sout1
    ).wait()


def kernel(x, G):
    del G
    n = x.shape[0]
    a = x.reshape(n // 128, 128, 2).transpose(0, 2, 1).reshape(_N_WORDS)
    mesh = plsc.VectorSubcoreMesh(core_axis_name="c", subcore_axis_name="s")
    f = functools.partial(
        pl.kernel,
        mesh=mesh,
        out_type=jax.ShapeDtypeStruct((_N_WORDS,), jnp.float32),
        scratch_types=[
            pltpu.VMEM((_CHUNK,), jnp.float32),
            pltpu.VMEM((_CHUNK,), jnp.float32),
            pltpu.SemaphoreType.DMA,
            pltpu.SemaphoreType.DMA,
            pltpu.SemaphoreType.DMA,
            pltpu.SemaphoreType.DMA,
        ],
    )(_sc_body)
    y = f(a)
    return y.reshape(n // 128, 2, 128).transpose(0, 2, 1).reshape(n, 2)

# --- scband reference (transcript-rebuilt; emitter-appended) ---
"""Pipeline reference for scband-brick-wall-quantizer-70274254897536 (READ-ONLY COPY).

The authoritative reference and input builder live on the scoring server;
editing this copy changes nothing except your own understanding.
"""

import jax, jax.numpy as jnp
import numpy as np

SCALE = np.sqrt(3) / 2.0

def setup_inputs(seed: int = 0) -> dict:
    key = jax.random.key(seed)
    x = jax.random.normal(key, (4194304, 2), dtype=jnp.float32)
    # Generator matrix parameter (requires_grad=False in torch; unused in forward math)
    G = jnp.array([[1.0, 0.0], [0.0, np.sqrt(3) / 2.0]], dtype=jnp.float32)
    return {"x": x, "G": G}

def reference(x, G):
    # Brick-wall (hexagonal-row) lattice quantizer, dim == 2
    scale = jnp.float32(SCALE)
    y1_int = jnp.round(x[:, 1] / scale)
    y1 = y1_int * scale
    idx_odd = jnp.mod(y1_int, 2.0) == 1.0
    y0_odd = jnp.round(x[:, 0] + 0.5) - 0.5
    y0_even = jnp.round(x[:, 0])
    y0 = jnp.where(idx_odd, y0_odd, y0_even)
    y = jnp.stack([y0, y1], axis=1)
    return y

if __name__ == "__main__":
    import jax
    _d = setup_inputs()
    print(jax.jit(kernel)(*tuple(_d.values())))

</pallas_src>

<mosaic_0001>
#map = affine_map<(d0, d1) -> (0)>
module attributes {stable_mosaic.version = 14 : i64} {
  func.func @_sc_body(%arg0: i32, %arg1: i32, %arg2: memref<8388608xf32, #tpu.memory_space<hbm>>, %arg3: memref<8388608xf32, #tpu.memory_space<hbm>>, %arg4: memref<16384xf32, #tpu.memory_space<vmem>>, %arg5: memref<16384xf32, #tpu.memory_space<vmem>>, %arg6: memref<!tpu.dma_semaphore, #tpu.memory_space<semaphore_mem>>, %arg7: memref<!tpu.dma_semaphore, #tpu.memory_space<semaphore_mem>>, %arg8: memref<!tpu.dma_semaphore, #tpu.memory_space<semaphore_mem>>, %arg9: memref<!tpu.dma_semaphore, #tpu.memory_space<semaphore_mem>>) attributes {dimension_semantics = [#tpu.dimension_semantics<core_parallel>, #tpu.dimension_semantics<subcore_parallel>], iteration_bounds = array<i64: 2, 16>, scalar_prefetch = 0 : i64, scratch_operands = 6 : i64, tpu.core_type = #tpu.core_type<sc_vector_subcore>, window_params = [{transform_indices = #map}, {transform_indices = #map}]} {
    %mul3A = arith.constant 2 : i32
    %mul3A_0 = arith.muli %arg1, %mul3A : i32
    %add3A = arith.addi %mul3A_0, %arg0 : i32
    %mul3A_1 = arith.constant 262144 : i32
    %mul3A_2 = arith.muli %add3A, %mul3A_1 : i32
    %dma_start3A = tpu.memref_slice %arg2[%mul3A_2] : memref<8388608xf32, #tpu.memory_space<hbm>> -> memref<16384xf32, #tpu.memory_space<hbm>>
    %dma_start3A_3 = tpu.memref_slice %arg2[%mul3A_2] : memref<8388608xf32, #tpu.memory_space<hbm>> -> memref<16384xf32, #tpu.memory_space<hbm>>
    tpu.enqueue_dma source(%dma_start3A_3 : memref<16384xf32, #tpu.memory_space<hbm>>) target(%arg4 : memref<16384xf32, #tpu.memory_space<vmem>>) target_semaphore(%arg6 : memref<!tpu.dma_semaphore, #tpu.memory_space<semaphore_mem>>)
    %scan3A = arith.constant 0 : i32
    %scan3A_4 = arith.constant 0 : i32
    %scan3A_5 = arith.constant 16 : i32
    %scan3A_6 = arith.addi %scan3A_4, %scan3A_5 : i32
    %scan3A_7 = arith.constant 1 : i32
    %scan3A_8 = scf.for %scan3A_13 = %scan3A_4 to %scan3A_6 step %scan3A_7 iter_args(%scan3A_14 = %scan3A) -> (i32)  : i32 {
      %rem3A = arith.constant 2 : i32
      %rem3A_15 = arith.remsi %scan3A_13, %rem3A : i32
      %eq3A = arith.constant 0 : i32
      %eq3A_16 = arith.cmpi eq, %rem3A_15, %eq3A : i32
      %convert_element_type3A = arith.extui %eq3A_16 : i1 to i32
      %cond3A = arith.constant 0 : i32
      %cond3A_17 = arith.cmpi ne, %convert_element_type3A, %cond3A : i32
      scf.if %cond3A_17 {
        %dma_wait3A_24 = tpu.memref_slice %arg2[%mul3A_2] : memref<8388608xf32, #tpu.memory_space<hbm>> -> memref<16384xf32, #tpu.memory_space<hbm>>
        %dma_wait3A_25 = tpu.memref_slice %arg2[%mul3A_2] : memref<8388608xf32, #tpu.memory_space<hbm>> -> memref<16384xf32, #tpu.memory_space<hbm>>
        tpu.wait_dma2 semaphore(%arg6 : memref<!tpu.dma_semaphore, #tpu.memory_space<semaphore_mem>>) src(%dma_wait3A_25 : memref<16384xf32, #tpu.memory_space<hbm>>) dst(%arg4 : memref<16384xf32, #tpu.memory_space<vmem>>)
        %add3A_26 = arith.constant 1 : i32
        %add3A_27 = arith.addi %scan3A_13, %add3A_26 : i32
        %lt3A = arith.constant 16 : i32
        %lt3A_28 = arith.cmpi slt, %add3A_27, %lt3A : i32
        %convert_element_type3A_29 = arith.extui %lt3A_28 : i1 to i32
        %cond3A_30 = arith.constant 0 : i32
        %cond3A_31 = arith.cmpi ne, %convert_element_type3A_29, %cond3A_30 : i32
        scf.if %cond3A_31 {
          %ge3A = arith.constant 1 : i32
          %ge3A_44 = arith.cmpi sge, %scan3A_13, %ge3A : i32
          %convert_element_type3A_45 = arith.extui %ge3A_44 : i1 to i32
          %cond3A_46 = arith.constant 0 : i32
          %cond3A_47 = arith.cmpi ne, %convert_element_type3A_45, %cond3A_46 : i32
          scf.if %cond3A_47 {
            %dma_wait3A_55 = tpu.memref_slice %arg3[%mul3A_2] : memref<8388608xf32, #tpu.memory_space<hbm>> -> memref<16384xf32, #tpu.memory_space<hbm>>
            %dma_wait3A_56 = tpu.memref_slice %arg3[%mul3A_2] : memref<8388608xf32, #tpu.memory_space<hbm>> -> memref<16384xf32, #tpu.memory_space<hbm>>
            tpu.wait_dma2 semaphore(%arg9 : memref<!tpu.dma_semaphore, #tpu.memory_space<semaphore_mem>>) src(%arg5 : memref<16384xf32, #tpu.memory_space<vmem>>) dst(%dma_wait3A_56 : memref<16384xf32, #tpu.memory_space<hbm>>)
          } else {
          }
          %add3A_48 = arith.constant 1 : i32
          %add3A_49 = arith.addi %scan3A_13, %add3A_48 : i32
          %mul3A_50 = arith.constant 16384 : i32
          %mul3A_51 = arith.muli %add3A_49, %mul3A_50 : i32
          %add3A_52 = arith.addi %mul3A_2, %mul3A_51 : i32
          %dma_start3A_53 = tpu.memref_slice %arg2[%add3A_52] : memref<8388608xf32, #tpu.memory_space<hbm>> -> memref<16384xf32, #tpu.memory_space<hbm>>
          %dma_start3A_54 = tpu.memref_slice %arg2[%add3A_52] : memref<8388608xf32, #tpu.memory_space<hbm>> -> memref<16384xf32, #tpu.memory_space<hbm>>
          tpu.enqueue_dma source(%dma_start3A_54 : memref<16384xf32, #tpu.memory_space<hbm>>) target(%arg5 : memref<16384xf32, #tpu.memory_space<vmem>>) target_semaphore(%arg7 : memref<!tpu.dma_semaphore, #tpu.memory_space<semaphore_mem>>)
        } else {
        }
        %scan3A_32 = arith.constant 0 : i32
        %scan3A_33 = arith.constant 0 : i32
        %scan3A_34 = arith.constant 64 : i32
        %scan3A_35 = arith.addi %scan3A_33, %scan3A_34 : i32
        %scan3A_36 = arith.constant 1 : i32
        %scan3A_37 = scf.for %scan3A_44 = %scan3A_33 to %scan3A_35 step %scan3A_36 iter_args(%scan3A_45 = %scan3A_32) -> (i32)  : i32 {
          %mul3A_46 = arith.constant 256 : i32
          %mul3A_47 = arith.muli %scan3A_44, %mul3A_46 : i32
          %add3A_48 = arith.constant 0 : i32
          %add3A_49 = arith.addi %mul3A_47, %add3A_48 : i32
          %get3A = arith.index_cast %add3A_49 : i32 to index
          %get3A_50 = tpu.vector_load %arg4[%get3A] {strides = array<i32>} : memref<16384xf32, #tpu.memory_space<vmem>>, vector<16xf32>,
          %get3A_51 = vector.shape_cast %get3A_50 : vector<16xf32> to vector<16xf32>
          %add3A_52 = arith.constant 128 : i32
          %add3A_53 = arith.addi %add3A_49, %add3A_52 : i32
          %get3A_54 = arith.index_cast %add3A_53 : i32 to index
          %get3A_55 = tpu.vector_load %arg4[%get3A_54] {strides = array<i32>} : memref<16384xf32, #tpu.memory_space<vmem>>, vector<16xf32>,
          %get3A_56 = vector.shape_cast %get3A_55 : vector<16xf32> to vector<16xf32>
          %mul3A_57 = arith.constant 1.15470052 : f32
          %mul3A_58 = vector.broadcast %mul3A_57 : f32 to vector<16xf32>
          %mul3A_59 = arith.mulf %get3A_56, %mul3A_58 : vector<16xf32>
          %lt3A_60 = arith.constant 0.000000e+00 : f32
          %lt3A_61 = vector.broadcast %lt3A_60 : f32 to vector<16xf32>
          %lt3A_62 = arith.cmpf olt, %mul3A_59, %lt3A_61 : vector<16xf32>
          %jit3A = arith.constant 0xCB000000 : f32
          %jit3A_63 = arith.constant 0x4B000000 : f32
          %broadcast_in_dim3A = vector.broadcast %jit3A : f32 to vector<16xf32>
          %broadcast_in_dim3A_64 = vector.broadcast %jit3A_63 : f32 to vector<16xf32>
          %select_n3A = arith.select %lt3A_62, %broadcast_in_dim3A, %broadcast_in_dim3A_64 : vector<16xi1>, vector<16xf32>
          %add3A_65 = arith.addf %mul3A_59, %select_n3A : vector<16xf32>
          %sub3A = arith.subf %add3A_65, %select_n3A : vector<16xf32>
          %abs3A = math.absf %mul3A_59 : vector<16xf32>
          %ge3A = arith.constant 0x4B000000 : f32
          %ge3A_66 = vector.broadcast %ge3A : f32 to vector<16xf32>
          %ge3A_67 = arith.cmpf oge, %abs3A, %ge3A_66 : vector<16xf32>
          %select_n3A_68 = arith.select %ge3A_67, %mul3A_59, %sub3A : vector<16xi1>, vector<16xf32>
          %mul3A_69 = arith.constant 0.866025388 : f32
          %mul3A_70 = vector.broadcast %mul3A_69 : f32 to vector<16xf32>
          %mul3A_71 = arith.mulf %select_n3A_68, %mul3A_70 : vector<16xf32>
          %rem3A_72 = arith.constant 2.000000e+00 : f32
          %rem3A_73 = vector.broadcast %rem3A_72 : f32 to vector<16xf32>
          %rem3A_74 = arith.remf %select_n3A_68, %rem3A_73 : vector<16xf32>
          %ne3A = arith.constant 0.000000e+00 : f32
          %ne3A_75 = vector.broadcast %ne3A : f32 to vector<16xf32>
          %ne3A_76 = arith.cmpf one, %rem3A_74, %ne3A_75 : vector<16xf32>
          %jit3A_77 = arith.constant 5.000000e-01 : f32
          %jit3A_78 = arith.constant 0.000000e+00 : f32
          %broadcast_in_dim3A_79 = vector.broadcast %jit3A_77 : f32 to vector<16xf32>
          %broadcast_in_dim3A_80 = vector.broadcast %jit3A_78 : f32 to vector<16xf32>
          %select_n3A_81 = arith.select %ne3A_76, %broadcast_in_dim3A_79, %broadcast_in_dim3A_80 : vector<16xi1>, vector<16xf32>
          %add3A_82 = arith.addf %get3A_51, %select_n3A_81 : vector<16xf32>
          %lt3A_83 = arith.constant 0.000000e+00 : f32
          %lt3A_84 = vector.broadcast %lt3A_83 : f32 to vector<16xf32>
          %lt3A_85 = arith.cmpf olt, %add3A_82, %lt3A_84 : vector<16xf32>
          %jit3A_86 = arith.constant 0xCB000000 : f32
          %jit3A_87 = arith.constant 0x4B000000 : f32
          %broadcast_in_dim3A_88 = vector.broadcast %jit3A_86 : f32 to vector<16xf32>
          %broadcast_in_dim3A_89 = vector.broadcast %jit3A_87 : f32 to vector<16xf32>
          %select_n3A_90 = arith.select %lt3A_85, %broadcast_in_dim3A_88, %broadcast_in_dim3A_89 : vector<16xi1>, vector<16xf32>
          %add3A_91 = arith.addf %add3A_82, %select_n3A_90 : vector<16xf32>
          %sub3A_92 = arith.subf %add3A_91, %select_n3A_90 : vector<16xf32>
          %abs3A_93 = math.absf %add3A_82 : vector<16xf32>
          %ge3A_94 = arith.constant 0x4B000000 : f32
          %ge3A_95 = vector.broadcast %ge3A_94 : f32 to vector<16xf32>
          %ge3A_96 = arith.cmpf oge, %abs3A_93, %ge3A_95 : vector<16xf32>
          %select_n3A_97 = arith.select %ge3A_96, %add3A_82, %sub3A_92 : vector<16xi1>, vector<16xf32>
          %sub3A_98 = arith.subf %select_n3A_97, %select_n3A_81 : vector<16xf32>
          %swap3A = arith.index_cast %add3A_49 : i32 to index
          %swap3A_99 = tpu.vector_load %arg4[%swap3A] {strides = array<i32>} : memref<16384xf32, #tpu.memory_space<vmem>>, vector<16xf32>,
          %swap3A_100 = vector.shape_cast %swap3A_99 : vector<16xf32> to vector<16xf32>
          %swap3A_101 = vector.shape_cast %sub3A_98 : vector<16xf32> to vector<16xf32>
          tpu.vector_store %arg4[%swap3A], %swap3A_101 {strides = array<i32>} : memref<16384xf32, #tpu.memory_space<vmem>>, vector<16xf32>,
          %add3A_102 = arith.constant 128 : i32
          %add3A_103 = arith.addi %add3A_49, %add3A_102 : i32
          %swap3A_104 = arith.index_cast %add3A_103 : i32 to index
          %swap3A_105 = tpu.vector_load %arg4[%swap3A_104] {strides = array<i32>} : memref<16384xf32, #tpu.memory_space<vmem>>, vector<16xf32>,
          %swap3A_106 = vector.shape_cast %swap3A_105 : vector<16xf32> to vector<16xf32>
          %swap3A_107 = vector.shape_cast %mul3A_71 : vector<16xf32> to vector<16xf32>
          tpu.vector_store %arg4[%swap3A_104], %swap3A_107 {strides = array<i32>} : memref<16384xf32, #tpu.memory_space<vmem>>, vector<16xf32>,
          %add3A_108 = arith.constant 16 : i32
          %add3A_109 = arith.addi %mul3A_47, %add3A_108 : i32
          %get3A_110 = arith.index_cast %add3A_109 : i32 to index
          %get3A_111 = tpu.vector_load %arg4[%get3A_110] {strides = array<i32>} : memref<16384xf32, #tpu.memory_space<vmem>>, vector<16xf32>,
          %get3A_112 = vector.shape_cast %get3A_111 : vector<16xf32> to vector<16xf32>
          %add3A_113 = arith.constant 128 : i32
          %add3A_114 = arith.addi %add3A_109, %add3A_113 : i32
          %get3A_115 = arith.index_cast %add3A_114 : i32 to index
          %get3A_116 = tpu.vector_load %arg4[%get3A_115] {strides = array<i32>} : memref<16384xf32, #tpu.memory_space<vmem>>, vector<16xf32>,
          %get3A_117 = vector.shape_cast %get3A_116 : vector<16xf32> to vector<16xf32>
          %mul3A_118 = arith.constant 1.15470052 : f32
          %mul3A_119 = vector.broadcast %mul3A_118 : f32 to vector<16xf32>
          %mul3A_120 = arith.mulf %get3A_117, %mul3A_119 : vector<16xf32>
          %lt3A_121 = arith.constant 0.000000e+00 : f32
          %lt3A_122 = vector.broadcast %lt3A_121 : f32 to vector<16xf32>
          %lt3A_123 = arith.cmpf olt, %mul3A_120, %lt3A_122 : vector<16xf32>
          %jit3A_124 = arith.constant 0xCB000000 : f32
          %jit3A_125 = arith.constant 0x4B000000 : f32
          %broadcast_in_dim3A_126 = vector.broadcast %jit3A_124 : f32 to vector<16xf32>
          %broadcast_in_dim3A_127 = vector.broadcast %jit3A_125 : f32 to vector<16xf32>
          %select_n3A_128 = arith.select %lt3A_123, %broadcast_in_dim3A_126, %broadcast_in_dim3A_127 : vector<16xi1>, vector<16xf32>
          %add3A_129 = arith.addf %mul3A_120, %select_n3A_128 : vector<16xf32>
          %sub3A_130 = arith.subf %add3A_129, %select_n3A_128 : vector<16xf32>
          %abs3A_131 = math.absf %mul3A_120 : vector<16xf32>
          %ge3A_132 = arith.constant 0x4B000000 : f32
          %ge3A_133 = vector.broadcast %ge3A_132 : f32 to vector<16xf32>
          %ge3A_134 = arith.cmpf oge, %abs3A_131, %ge3A_133 : vector<16xf32>
          %select_n3A_135 = arith.select %ge3A_134, %mul3A_120, %sub3A_130 : vector<16xi1>, vector<16xf32>
          %mul3A_136 = arith.constant 0.866025388 : f32
          %mul3A_137 = vector.broadcast %mul3A_136 : f32 to vector<16xf32>
          %mul3A_138 = arith.mulf %select_n3A_135, %mul3A_137 : vector<16xf32>
          %rem3A_139 = arith.constant 2.000000e+00 : f32
          %rem3A_140 = vector.broadcast %rem3A_139 : f32 to vector<16xf32>
          %rem3A_141 = arith.remf %select_n3A_135, %rem3A_140 : vector<16xf32>
          %ne3A_142 = arith.constant 0.000000e+00 : f32
          %ne3A_143 = vector.broadcast %ne3A_142 : f32 to vector<16xf32>
          %ne3A_144 = arith.cmpf one, %rem3A_141, %ne3A_143 : vector<16xf32>
          %jit3A_145 = arith.constant 5.000000e-01 : f32
          %jit3A_146 = arith.constant 0.000000e+00 : f32
          %broadcast_in_dim3A_147 = vector.broadcast %jit3A_145 : f32 to vector<16xf32>
          %broadcast_in_dim3A_148 = vector.broadcast %jit3A_146 : f32 to vector<16xf32>
          %select_n3A_149 = arith.select %ne3A_144, %broadcast_in_dim3A_147, %broadcast_in_dim3A_148 : vector<16xi1>, vector<16xf32>
          %add3A_150 = arith.addf %get3A_112, %select_n3A_149 : vector<16xf32>
          %lt3A_151 = arith.constant 0.000000e+00 : f32
          %lt3A_152 = vector.broadcast %lt3A_151 : f32 to vector<16xf32>
          %lt3A_153 = arith.cmpf olt, %add3A_150, %lt3A_152 : vector<16xf32>
          %jit3A_154 = arith.constant 0xCB000000 : f32
          %jit3A_155 = arith.constant 0x4B000000 : f32
          %broadcast_in_dim3A_156 = vector.broadcast %jit3A_154 : f32 to vector<16xf32>
          %broadcast_in_dim3A_157 = vector.broadcast %jit3A_155 : f32 to vector<16xf32>
          %select_n3A_158 = arith.select %lt3A_153, %broadcast_in_dim3A_156, %broadcast_in_dim3A_157 : vector<16xi1>, vector<16xf32>
          %add3A_159 = arith.addf %add3A_150, %select_n3A_158 : vector<16xf32>
          %sub3A_160 = arith.subf %add3A_159, %select_n3A_158 : vector<16xf32>
          %abs3A_161 = math.absf %add3A_150 : vector<16xf32>
          %ge3A_162 = arith.constant 0x4B000000 : f32
          %ge3A_163 = vector.broadcast %ge3A_162 : f32 to vector<16xf32>
          %ge3A_164 = arith.cmpf oge, %abs3A_161, %ge3A_163 : vector<16xf32>
          %select_n3A_165 = arith.select %ge3A_164, %add3A_150, %sub3A_160 : vector<16xi1>, vector<16xf32>
          %sub3A_166 = arith.subf %select_n3A_165, %select_n3A_149 : vector<16xf32>
          %swap3A_167 = arith.index_cast %add3A_109 : i32 to index
          %swap3A_168 = tpu.vector_load %arg4[%swap3A_167] {strides = array<i32>} : memref<16384xf32, #tpu.memory_space<vmem>>, vector<16xf32>,
          %swap3A_169 = vector.shape_cast %swap3A_168 : vector<16xf32> to vector<16xf32>
          %swap3A_170 = vector.shape_cast %sub3A_166 : vector<16xf32> to vector<16xf32>
          tpu.vector_store %arg4[%swap3A_167], %swap3A_170 {strides = array<i32>} : memref<16384xf32, #tpu.memory_space<vmem>>, vector<16xf32>,
          %add3A_171 = arith.constant 128 : i32
          %add3A_172 = arith.addi %add3A_109, %add3A_171 : i32
          %swap3A_173 = arith.index_cast %add3A_172 : i32 to index
          %swap3A_174 = tpu.vector_load %arg4[%swap3A_173] {strides = array<i32>} : memref<16384xf32, #tpu.memory_space<vmem>>, vector<16xf32>,
          %swap3A_175 = vector.shape_cast %swap3A_174 : vector<16xf32> to vector<16xf32>
          %swap3A_176 = vector.shape_cast %mul3A_138 : vector<16xf32> to vector<16xf32>
          tpu.vector_store %arg4[%swap3A_173], %swap3A_176 {strides = array<i32>} : memref<16384xf32, #tpu.memory_space<vmem>>, vector<16xf32>,
          %add3A_177 = arith.constant 32 : i32
          %add3A_178 = arith.addi %mul3A_47, %add3A_177 : i32
          %get3A_179 = arith.index_cast %add3A_178 : i32 to index
          %get3A_180 = tpu.vector_load %arg4[%get3A_179] {strides = array<i32>} : memref<16384xf32, #tpu.memory_space<vmem>>, vector<16xf32>,
          %get3A_181 = vector.shape_cast %get3A_180 : vector<16xf32> to vector<16xf32>
          %add3A_182 = arith.constant 128 : i32
          %add3A_183 = arith.addi %add3A_178, %add3A_182 : i32
          %get3A_184 = arith.index_cast %add3A_183 : i32 to index
          %get3A_185 = tpu.vector_load %arg4[%get3A_184] {strides = array<i32>} : memref<16384xf32, #tpu.memory_space<vmem>>, vector<16xf32>,
          %get3A_186 = vector.shape_cast %get3A_185 : vector<16xf32> to vector<16xf32>
          %mul3A_187 = arith.constant 1.15470052 : f32
          %mul3A_188 = vector.broadcast %mul3A_187 : f32 to vector<16xf32>
          %mul3A_189 = arith.mulf %get3A_186, %mul3A_188 : vector<16xf32>
          %lt3A_190 = arith.constant 0.000000e+00 : f32
          %lt3A_191 = vector.broadcast %lt3A_190 : f32 to vector<16xf32>
          %lt3A_192 = arith.cmpf olt, %mul3A_189, %lt3A_191 : vector<16xf32>
          %jit3A_193 = arith.constant 0xCB000000 : f32
          %jit3A_194 = arith.constant 0x4B000000 : f32
          %broadcast_in_dim3A_195 = vector.broadcast %jit3A_193 : f32 to vector<16xf32>
          %broadcast_in_dim3A_196 = vector.broadcast %jit3A_194 : f32 to vector<16xf32>
          %select_n3A_197 = arith.select %lt3A_192, %broadcast_in_dim3A_195, %broadcast_in_dim3A_196 : vector<16xi1>, vector<16xf32>
          %add3A_198 = arith.addf %mul3A_189, %select_n3A_197 : vector<16xf32>
          %sub3A_199 = arith.subf %add3A_198, %select_n3A_197 : vector<16xf32>
          %abs3A_200 = math.absf %mul3A_189 : vector<16xf32>
          %ge3A_201 = arith.constant 0x4B000000 : f32
          %ge3A_202 = vector.broadcast %ge3A_201 : f32 to vector<16xf32>
          %ge3A_203 = arith.cmpf oge, %abs3A_200, %ge3A_202 : vector<16xf32>
          %select_n3A_204 = arith.select %ge3A_203, %mul3A_189, %sub3A_199 : vector<16xi1>, vector<16xf32>
          %mul3A_205 = arith.constant 0.866025388 : f32
          %mul3A_206 = vector.broadcast %mul3A_205 : f32 to vector<16xf32>
          %mul3A_207 = arith.mulf %select_n3A_204, %mul3A_206 : vector<16xf32>
          %rem3A_208 = arith.constant 2.000000e+00 : f32
          %rem3A_209 = vector.broadcast %rem3A_208 : f32 to vector<16xf32>
          %rem3A_210 = arith.remf %select_n3A_204, %rem3A_209 : vector<16xf32>
          %ne3A_211 = arith.constant 0.000000e+00 : f32
          %ne3A_212 = vector.broadcast %ne3A_211 : f32 to vector<16xf32>
          %ne3A_213 = arith.cmpf one, %rem3A_210, %ne3A_212 : vector<16xf32>
          %jit3A_214 = arith.constant 5.000000e-01 : f32
          %jit3A_215 = arith.constant 0.000000e+00 : f32
          %broadcast_in_dim3A_216 = vector.broadcast %jit3A_214 : f32 to vector<16xf32>
          %broadcast_in_dim3A_217 = vector.broadcast %jit3A_215 : f32 to vector<16xf32>
          %select_n3A_218 = arith.select %ne3A_213, %broadcast_in_dim3A_216, %broadcast_in_dim3A_217 : vector<16xi1>, vector<16xf32>
          %add3A_219 = arith.addf %get3A_181, %select_n3A_218 : vector<16xf32>
          %lt3A_220 = arith.constant 0.000000e+00 : f32
          %lt3A_221 = vector.broadcast %lt3A_220 : f32 to vector<16xf32>
          %lt3A_222 = arith.cmpf olt, %add3A_219, %lt3A_221 : vector<16xf32>
          %jit3A_223 = arith.constant 0xCB000000 : f32
          %jit3A_224 = arith.constant 0x4B000000 : f32
          %broadcast_in_dim3A_225 = vector.broadcast %jit3A_223 : f32 to vector<16xf32>
          %broadcast_in_dim3A_226 = vector.broadcast %jit3A_224 : f32 to vector<16xf32>
          %select_n3A_227 = arith.select %lt3A_222, %broadcast_in_dim3A_225, %broadcast_in_dim3A_226 : vector<16xi1>, vector<16xf32>
          %add3A_228 = arith.addf %add3A_219, %select_n3A_227 : vector<16xf32>
          %sub3A_229 = arith.subf %add3A_228, %select_n3A_227 : vector<16xf32>
          %abs3A_230 = math.absf %add3A_219 : vector<16xf32>
          %ge3A_231 = arith.constant 0x4B000000 : f32
          %ge3A_232 = vector.broadcast %ge3A_231 : f32 to vector<16xf32>
          %ge3A_233 = arith.cmpf oge, %abs3A_230, %ge3A_232 : vector<16xf32>
          %select_n3A_234 = arith.select %ge3A_233, %add3A_219, %sub3A_229 : vector<16xi1>, vector<16xf32>
          %sub3A_235 = arith.subf %select_n3A_234, %select_n3A_218 : vector<16xf32>
          %swap3A_236 = arith.index_cast %add3A_178 : i32 to index
          %swap3A_237 = tpu.vector_load %arg4[%swap3A_236] {strides = array<i32>} : memref<16384xf32, #tpu.memory_space<vmem>>, vector<16xf32>,
          %swap3A_238 = vector.shape_cast %swap3A_237 : vector<16xf32> to vector<16xf32>
          %swap3A_239 = vector.shape_cast %sub3A_235 : vector<16xf32> to vector<16xf32>
          tpu.vector_store %arg4[%swap3A_236], %swap3A_239 {strides = array<i32>} : memref<16384xf32, #tpu.memory_space<vmem>>, vector<16xf32>,
          %add3A_240 = arith.constant 128 : i32
          %add3A_241 = arith.addi %add3A_178, %add3A_240 : i32
          %swap3A_242 = arith.index_cast %add3A_241 : i32 to index
          %swap3A_243 = tpu.vector_load %arg4[%swap3A_242] {strides = array<i32>} : memref<16384xf32, #tpu.memory_space<vmem>>, vector<16xf32>,
          %swap3A_244 = vector.shape_cast %swap3A_243 : vector<16xf32> to vector<16xf32>
          %swap3A_245 = vector.shape_cast %mul3A_207 : vector<16xf32> to vector<16xf32>
          tpu.vector_store %arg4[%swap3A_242], %swap3A_245 {strides = array<i32>} : memref<16384xf32, #tpu.memory_space<vmem>>, vector<16xf32>,
          %add3A_246 = arith.constant 48 : i32
          %add3A_247 = arith.addi %mul3A_47, %add3A_246 : i32
          %get3A_248 = arith.index_cast %add3A_247 : i32 to index
          %get3A_249 = tpu.vector_load %arg4[%get3A_248] {strides = array<i32>} : memref<16384xf32, #tpu.memory_space<vmem>>, vector<16xf32>,
          %get3A_250 = vector.shape_cast %get3A_249 : vector<16xf32> to vector<16xf32>
          %add3A_251 = arith.constant 128 : i32
          %add3A_252 = arith.addi %add3A_247, %add3A_251 : i32
          %get3A_253 = arith.index_cast %add3A_252 : i32 to index
          %get3A_254 = tpu.vector_load %arg4[%get3A_253] {strides = array<i32>} : memref<16384xf32, #tpu.memory_space<vmem>>, vector<16xf32>,
          %get3A_255 = vector.shape_cast %get3A_254 : vector<16xf32> to vector<16xf32>
          %mul3A_256 = arith.constant 1.15470052 : f32
          %mul3A_257 = vector.broadcast %mul3A_256 : f32 to vector<16xf32>
          %mul3A_258 = arith.mulf %get3A_255, %mul3A_257 : vector<16xf32>
          %lt3A_259 = arith.constant 0.000000e+00 : f32
          %lt3A_260 = vector.broadcast %lt3A_259 : f32 to vector<16xf32>
          %lt3A_261 = arith.cmpf olt, %mul3A_258, %lt3A_260 : vector<16xf32>
          %jit3A_262 = arith.constant 0xCB000000 : f32
          %jit3A_263 = arith.constant 0x4B000000 : f32
          %broadcast_in_dim3A_264 = vector.broadcast %jit3A_262 : f32 to vector<16xf32>
          %broadcast_in_dim3A_265 = vector.broadcast %jit3A_263 : f32 to vector<16xf32>
          %select_n3A_266 = arith.select %lt3A_261, %broadcast_in_dim3A_264, %broadcast_in_dim3A_265 : vector<16xi1>, vector<16xf32>
          %add3A_267 = arith.addf %mul3A_258, %select_n3A_266 : vector<16xf32>
          %sub3A_268 = arith.subf %add3A_267, %select_n3A_266 : vector<16xf32>
          %abs3A_269 = math.absf %mul3A_258 : vector<16xf32>
          %ge3A_270 = arith.constant 0x4B000000 : f32
          %ge3A_271 = vector.broadcast %ge3A_270 : f32 to vector<16xf32>
          %ge3A_272 = arith.cmpf oge, %abs3A_269, %ge3A_271 : vector<16xf32>
          %select_n3A_273 = arith.select %ge3A_272, %mul3A_258, %sub3A_268 : vector<16xi1>, vector<16xf32>
          %mul3A_274 = arith.constant 0.866025388 : f32
          %mul3A_275 = vector.broadcast %mul3A_274 : f32 to vector<16xf32>
          %mul3A_276 = arith.mulf %select_n3A_273, %mul3A_275 : vector<16xf32>
          %rem3A_277 = arith.constant 2.000000e+00 : f32
          %rem3A_278 = vector.broadcast %rem3A_277 : f32 to vector<16xf32>
          %rem3A_279 = arith.remf %select_n3A_273, %rem3A_278 : vector<16xf32>
          %ne3A_280 = arith.constant 0.000000e+00 : f32
          %ne3A_281 = vector.broadcast %ne3A_280 : f32 to vector<16xf32>
          %ne3A_282 = arith.cmpf one, %rem3A_279, %ne3A_281 : vector<16xf32>
          %jit3A_283 = arith.constant 5.000000e-01 : f32
          %jit3A_284 = arith.constant 0.000000e+00 : f32
          %broadcast_in_dim3A_285 = vector.broadcast %jit3A_283 : f32 to vector<16xf32>
          %broadcast_in_dim3A_286 = vector.broadcast %jit3A_284 : f32 to vector<16xf32>
          %select_n3A_287 = arith.select %ne3A_282, %broadcast_in_dim3A_285, %broadcast_in_dim3A_286 : vector<16xi1>, vector<16xf32>
          %add3A_288 = arith.addf %get3A_250, %select_n3A_287 : vector<16xf32>
          %lt3A_289 = arith.constant 0.000000e+00 : f32
          %lt3A_290 = vector.broadcast %lt3A_289 : f32 to vector<16xf32>
          %lt3A_291 = arith.cmpf olt, %add3A_288, %lt3A_290 : vector<16xf32>
          %jit3A_292 = arith.constant 0xCB000000 : f32
          %jit3A_293 = arith.constant 0x4B000000 : f32
          %broadcast_in_dim3A_294 = vector.broadcast %jit3A_292 : f32 to vector<16xf32>
          %broadcast_in_dim3A_295 = vector.broadcast %jit3A_293 : f32 to vector<16xf32>
          %select_n3A_296 = arith.select %lt3A_291, %broadcast_in_dim3A_294, %broadcast_in_dim3A_295 : vector<16xi1>, vector<16xf32>
          %add3A_297 = arith.addf %add3A_288, %select_n3A_296 : vector<16xf32>
          %sub3A_298 = arith.subf %add3A_297, %select_n3A_296 : vector<16xf32>
          %abs3A_299 = math.absf %add3A_288 : vector<16xf32>
          %ge3A_300 = arith.constant 0x4B000000 : f32
          %ge3A_301 = vector.broadcast %ge3A_300 : f32 to vector<16xf32>
          %ge3A_302 = arith.cmpf oge, %abs3A_299, %ge3A_301 : vector<16xf32>
          %select_n3A_303 = arith.select %ge3A_302, %add3A_288, %sub3A_298 : vector<16xi1>, vector<16xf32>
          %sub3A_304 = arith.subf %select_n3A_303, %select_n3A_287 : vector<16xf32>
          %swap3A_305 = arith.index_cast %add3A_247 : i32 to index
          %swap3A_306 = tpu.vector_load %arg4[%swap3A_305] {strides = array<i32>} : memref<16384xf32, #tpu.memory_space<vmem>>, vector<16xf32>,
          %swap3A_307 = vector.shape_cast %swap3A_306 : vector<16xf32> to vector<16xf32>
          %swap3A_308 = vector.shape_cast %sub3A_304 : vector<16xf32> to vector<16xf32>
          tpu.vector_store %arg4[%swap3A_305], %swap3A_308 {strides = array<i32>} : memref<16384xf32, #tpu.memory_space<vmem>>, vector<16xf32>,
          %add3A_309 = arith.constant 128 : i32
          %add3A_310 = arith.addi %add3A_247, %add3A_309 : i32
          %swap3A_311 = arith.index_cast %add3A_310 : i32 to index
          %swap3A_312 = tpu.vector_load %arg4[%swap3A_311] {strides = array<i32>} : memref<16384xf32, #tpu.memory_space<vmem>>, vector<16xf32>,
          %swap3A_313 = vector.shape_cast %swap3A_312 : vector<16xf32> to vector<16xf32>
          %swap3A_314 = vector.shape_cast %mul3A_276 : vector<16xf32> to vector<16xf32>
          tpu.vector_store %arg4[%swap3A_311], %swap3A_314 {strides = array<i32>} : memref<16384xf32, #tpu.memory_space<vmem>>, vector<16xf32>,
          %add3A_315 = arith.constant 64 : i32
          %add3A_316 = arith.addi %mul3A_47, %add3A_315 : i32
          %get3A_317 = arith.index_cast %add3A_316 : i32 to index
          %get3A_318 = tpu.vector_load %arg4[%get3A_317] {strides = array<i32>} : memref<16384xf32, #tpu.memory_space<vmem>>, vector<16xf32>,
          %get3A_319 = vector.shape_cast %get3A_318 : vector<16xf32> to vector<16xf32>
          %add3A_320 = arith.constant 128 : i32
          %add3A_321 = arith.addi %add3A_316, %add3A_320 : i32
          %get3A_322 = arith.index_cast %add3A_321 : i32 to index
          %get3A_323 = tpu.vector_load %arg4[%get3A_322] {strides = array<i32>} : memref<16384xf32, #tpu.memory_space<vmem>>, vector<16xf32>,
          %get3A_324 = vector.shape_cast %get3A_323 : vector<16xf32> to vector<16xf32>
          %mul3A_325 = arith.constant 1.15470052 : f32
          %mul3A_326 = vector.broadcast %mul3A_325 : f32 to vector<16xf32>
          %mul3A_327 = arith.mulf %get3A_324, %mul3A_326 : vector<16xf32>
          %lt3A_328 = arith.constant 0.000000e+00 : f32
          %lt3A_329 = vector.broadcast %lt3A_328 : f32 to vector<16xf32>
          %lt3A_330 = arith.cmpf olt, %mul3A_327, %lt3A_329 : vector<16xf32>
          %jit3A_331 = arith.constant 0xCB000000 : f32
          %jit3A_332 = arith.constant 0x4B000000 : f32
          %broadcast_in_dim3A_333 = vector.broadcast %jit3A_331 : f32 to vector<16xf32>
          %broadcast_in_dim3A_334 = vector.broadcast %jit3A_332 : f32 to vector<16xf32>
          %select_n3A_335 = arith.select %lt3A_330, %broadcast_in_dim3A_333, %broadcast_in_dim3A_334 : vector<16xi1>, vector<16xf32>
          %add3A_336 = arith.addf %mul3A_327, %select_n3A_335 : vector<16xf32>
          %sub3A_337 = arith.subf %add3A_336, %select_n3A_335 : vector<16xf32>
          %abs3A_338 = math.absf %mul3A_327 : vector<16xf32>
          %ge3A_339 = arith.constant 0x4B000000 : f32
          %ge3A_340 = vector.broadcast %ge3A_339 : f32 to vector<16xf32>
          %ge3A_341 = arith.cmpf oge, %abs3A_338, %ge3A_340 : vector<16xf32>
          %select_n3A_342 = arith.select %ge3A_341, %mul3A_327, %sub3A_337 : vector<16xi1>, vector<16xf32>
          %mul3A_343 = arith.constant 0.866025388 : f32
          %mul3A_344 = vector.broadcast %mul3A_343 : f32 to vector<16xf32>
          %mul3A_345 = arith.mulf %select_n3A_342, %mul3A_344 : vector<16xf32>
          %rem3A_346 = arith.constant 2.000000e+00 : f32
          %rem3A_347 = vector.broadcast %rem3A_346 : f32 to vector<16xf32>
          %rem3A_348 = arith.remf %select_n3A_342, %rem3A_347 : vector<16xf32>
          %ne3A_349 = arith.constant 0.000000e+00 : f32
          %ne3A_350 = vector.broadcast %ne3A_349 : f32 to vector<16xf32>
          %ne3A_351 = arith.cmpf one, %rem3A_348, %ne3A_350 : vector<16xf32>
          %jit3A_352 = arith.constant 5.000000e-01 : f32
          %jit3A_353 = arith.constant 0.000000e+00 : f32
          %broadcast_in_dim3A_354 = vector.broadcast %jit3A_352 : f32 to vector<16xf32>
          %broadcast_in_dim3A_355 = vector.broadcast %jit3A_353 : f32 to vector<16xf32>
          %select_n3A_356 = arith.select %ne3A_351, %broadcast_in_dim3A_354, %broadcast_in_dim3A_355 : vector<16xi1>, vector<16xf32>
          %add3A_357 = arith.addf %get3A_319, %select_n3A_356 : vector<16xf32>
          %lt3A_358 = arith.constant 0.000000e+00 : f32
          %lt3A_359 = vector.broadcast %lt3A_358 : f32 to vector<16xf32>
          %lt3A_360 = arith.cmpf olt, %add3A_357, %lt3A_359 : vector<16xf32>
          %jit3A_361 = arith.constant 0xCB000000 : f32
          %jit3A_362 = arith.constant 0x4B000000 : f32
          %broadcast_in_dim3A_363 = vector.broadcast %jit3A_361 : f32 to vector<16xf32>
          %broadcast_in_dim3A_364 = vector.broadcast %jit3A_362 : f32 to vector<16xf32>
          %select_n3A_365 = arith.select %lt3A_360, %broadcast_in_dim3A_363, %broadcast_in_dim3A_364 : vector<16xi1>, vector<16xf32>
          %add3A_366 = arith.addf %add3A_357, %select_n3A_365 : vector<16xf32>
          %sub3A_367 = arith.subf %add3A_366, %select_n3A_365 : vector<16xf32>
          %abs3A_368 = math.absf %add3A_357 : vector<16xf32>
          %ge3A_369 = arith.constant 0x4B000000 : f32
          %ge3A_370 = vector.broadcast %ge3A_369 : f32 to vector<16xf32>
          %ge3A_371 = arith.cmpf oge, %abs3A_368, %ge3A_370 : vector<16xf32>
          %select_n3A_372 = arith.select %ge3A_371, %add3A_357, %sub3A_367 : vector<16xi1>, vector<16xf32>
          %sub3A_373 = arith.subf %select_n3A_372, %select_n3A_356 : vector<16xf32>
          %swap3A_374 = arith.index_cast %add3A_316 : i32 to index
          %swap3A_375 = tpu.vector_load %arg4[%swap3A_374] {strides = array<i32>} : memref<16384xf32, #tpu.memory_space<vmem>>, vector<16xf32>,
          %swap3A_376 = vector.shape_cast %swap3A_375 : vector<16xf32> to vector<16xf32>
          %swap3A_377 = vector.shape_cast %sub3A_373 : vector<16xf32> to vector<16xf32>
          tpu.vector_store %arg4[%swap3A_374], %swap3A_377 {strides = array<i32>} : memref<16384xf32, #tpu.memory_space<vmem>>, vector<16xf32>,
          %add3A_378 = arith.constant 128 : i32
          %add3A_379 = arith.addi %add3A_316, %add3A_378 : i32
          %swap3A_380 = arith.index_cast %add3A_379 : i32 to index
          %swap3A_381 = tpu.vector_load %arg4[%swap3A_380] {strides = array<i32>} : memref<16384xf32, #tpu.memory_space<vmem>>, vector<16xf32>,
          %swap3A_382 = vector.shape_cast %swap3A_381 : vector<16xf32> to vector<16xf32>
          %swap3A_383 = vector.shape_cast %mul3A_345 : vector<16xf32> to vector<16xf32>
          tpu.vector_store %arg4[%swap3A_380], %swap3A_383 {strides = array<i32>} : memref<16384xf32, #tpu.memory_space<vmem>>, vector<16xf32>,
          %add3A_384 = arith.constant 80 : i32
          %add3A_385 = arith.addi %mul3A_47, %add3A_384 : i32
          %get3A_386 = arith.index_cast %add3A_385 : i32 to index
          %get3A_387 = tpu.vector_load %arg4[%get3A_386] {strides = array<i32>} : memref<16384xf32, #tpu.memory_space<vmem>>, vector<16xf32>,
          %get3A_388 = vector.shape_cast %get3A_387 : vector<16xf32> to vector<16xf32>
          %add3A_389 = arith.constant 128 : i32
          %add3A_390 = arith.addi %add3A_385, %add3A_389 : i32
          %get3A_391 = arith.index_cast %add3A_390 : i32 to index
          %get3A_392 = tpu.vector_load %arg4[%get3A_391] {strides = array<i32>} : memref<16384xf32, #tpu.memory_space<vmem>>, vector<16xf32>,
          %get3A_393 = vector.shape_cast %get3A_392 : vector<16xf32> to vector<16xf32>
          %mul3A_394 = arith.constant 1.15470052 : f32
          %mul3A_395 = vector.broadcast %mul3A_394 : f32 to vector<16xf32>
          %mul3A_396 = arith.mulf %get3A_393, %mul3A_395 : vector<16xf32>
          %lt3A_397 = arith.constant 0.000000e+00 : f32
          %lt3A_398 = vector.broadcast %lt3A_397 : f32 to vector<16xf32>
          %lt3A_399 = arith.cmpf olt, %mul3A_396, %lt3A_398 : vector<16xf32>
          %jit3A_400 = arith.constant 0xCB000000 : f32
          %jit3A_401 = arith.constant 0x4B000000 : f32
          %broadcast_in_dim3A_402 = vector.broadcast %jit3A_400 : f32 to vector<16xf32>
          %broadcast_in_dim3A_403 = vector.broadcast %jit3A_401 : f32 to vector<16xf32>
          %select_n3A_404 = arith.select %lt3A_399, %broadcast_in_dim3A_402, %broadcast_in_dim3A_403 : vector<16xi1>, vector<16xf32>
          %add3A_405 = arith.addf %mul3A_396, %select_n3A_404 : vector<16xf32>
          %sub3A_406 = arith.subf %add3A_405, %select_n3A_404 : vector<16xf32>
          %abs3A_407 = math.absf %mul3A_396 : vector<16xf32>
          %ge3A_408 = arith.constant 0x4B000000 : f32
          %ge3A_409 = vector.broadcast %ge3A_408 : f32 to vector<16xf32>
          %ge3A_410 = arith.cmpf oge, %abs3A_407, %ge3A_409 : vector<16xf32>
          %select_n3A_411 = arith.select %ge3A_410, %mul3A_396, %sub3A_406 : vector<16xi1>, vector<16xf32>
          %mul3A_412 = arith.constant 0.866025388 : f32
          %mul3A_413 = vector.broadcast %mul3A_412 : f32 to vector<16xf32>
          %mul3A_414 = arith.mulf %select_n3A_411, %mul3A_413 : vector<16xf32>
          %rem3A_415 = arith.constant 2.000000e+00 : f32
          %rem3A_416 = vector.broadcast %rem3A_415 : f32 to vector<16xf32>
          %rem3A_417 = arith.remf %select_n3A_411, %rem3A_416 : vector<16xf32>
          %ne3A_418 = arith.constant 0.000000e+00 : f32
          %ne3A_419 = vector.broadcast %ne3A_418 : f32 to vector<16xf32>
          %ne3A_420 = arith.cmpf one, %rem3A_417, %ne3A_419 : vector<16xf32>
          %jit3A_421 = arith.constant 5.000000e-01 : f32
          %jit3A_422 = arith.constant 0.000000e+00 : f32
          %broadcast_in_dim3A_423 = vector.broadcast %jit3A_421 : f32 to vector<16xf32>
          %broadcast_in_dim3A_424 = vector.broadcast %jit3A_422 : f32 to vector<16xf32>
          %select_n3A_425 = arith.select %ne3A_420, %broadcast_in_dim3A_423, %broadcast_in_dim3A_424 : vector<16xi1>, vector<16xf32>
          %add3A_426 = arith.addf %get3A_388, %select_n3A_425 : vector<16xf32>
          %lt3A_427 = arith.constant 0.000000e+00 : f32
          %lt3A_428 = vector.broadcast %lt3A_427 : f32 to vector<16xf32>
          %lt3A_429 = arith.cmpf olt, %add3A_426, %lt3A_428 : vector<16xf32>
          %jit3A_430 = arith.constant 0xCB000000 : f32
          %jit3A_431 = arith.constant 0x4B000000 : f32
          %broadcast_in_dim3A_432 = vector.broadcast %jit3A_430 : f32 to vector<16xf32>
          %broadcast_in_dim3A_433 = vector.broadcast %jit3A_431 : f32 to vector<16xf32>
          %select_n3A_434 = arith.select %lt3A_429, %broadcast_in_dim3A_432, %broadcast_in_dim3A_433 : vector<16xi1>, vector<16xf32>
          %add3A_435 = arith.addf %add3A_426, %select_n3A_434 : vector<16xf32>
          %sub3A_436 = arith.subf %add3A_435, %select_n3A_434 : vector<16xf32>
          %abs3A_437 = math.absf %add3A_426 : vector<16xf32>
          %ge3A_438 = arith.constant 0x4B000000 : f32
          %ge3A_439 = vector.broadcast %ge3A_438 : f32 to vector<16xf32>
          %ge3A_440 = arith.cmpf oge, %abs3A_437, %ge3A_439 : vector<16xf32>
          %select_n3A_441 = arith.select %ge3A_440, %add3A_426, %sub3A_436 : vector<16xi1>, vector<16xf32>
          %sub3A_442 = arith.subf %select_n3A_441, %select_n3A_425 : vector<16xf32>
          %swap3A_443 = arith.index_cast %add3A_385 : i32 to index
          %swap3A_444 = tpu.vector_load %arg4[%swap3A_443] {strides = array<i32>} : memref<16384xf32, #tpu.memory_space<vmem>>, vector<16xf32>,
          %swap3A_445 = vector.shape_cast %swap3A_444 : vector<16xf32> to vector<16xf32>
          %swap3A_446 = vector.shape_cast %sub3A_442 : vector<16xf32> to vector<16xf32>
          tpu.vector_store %arg4[%swap3A_443], %swap3A_446 {strides = array<i32>} : memref<16384xf32, #tpu.memory_space<vmem>>, vector<16xf32>,
          %add3A_447 = arith.constant 128 : i32
          %add3A_448 = arith.addi %add3A_385, %add3A_447 : i32
          %swap3A_449 = arith.index_cast %add3A_448 : i32 to index
          %swap3A_450 = tpu.vector_load %arg4[%swap3A_449] {strides = array<i32>} : memref<16384xf32, #tpu.memory_space<vmem>>, vector<16xf32>,
          %swap3A_451 = vector.shape_cast %swap3A_450 : vector<16xf32> to vector<16xf32>
          %swap3A_452 = vector.shape_cast %mul3A_414 : vector<16xf32> to vector<16xf32>
          tpu.vector_store %arg4[%swap3A_449], %swap3A_452 {strides = array<i32>} : memref<16384xf32, #tpu.memory_space<vmem>>, vector<16xf32>,
          %add3A_453 = arith.constant 96 : i32
          %add3A_454 = arith.addi %mul3A_47, %add3A_453 : i32
          %get3A_455 = arith.index_cast %add3A_454 : i32 to index
          %get3A_456 = tpu.vector_load %arg4[%get3A_455] {strides = array<i32>} : memref<16384xf32, #tpu.memory_space<vmem>>, vector<16xf32>,
          %get3A_457 = vector.shape_cast %get3A_456 : vector<16xf32> to vector<16xf32>
          %add3A_458 = arith.constant 128 : i32
          %add3A_459 = arith.addi %add3A_454, %add3A_458 : i32
          %get3A_460 = arith.index_cast %add3A_459 : i32 to index
          %get3A_461 = tpu.vector_load %arg4[%get3A_460] {strides = array<i32>} : memref<16384xf32, #tpu.memory_space<vmem>>, vector<16xf32>,
          %get3A_462 = vector.shape_cast %get3A_461 : vector<16xf32> to vector<16xf32>
          %mul3A_463 = arith.constant 1.15470052 : f32
          %mul3A_464 = vector.broadcast %mul3A_463 : f32 to vector<16xf32>
          %mul3A_465 = arith.mulf %get3A_462, %mul3A_464 : vector<16xf32>
          %lt3A_466 = arith.constant 0.000000e+00 : f32
          %lt3A_467 = vector.broadcast %lt3A_466 : f32 to vector<16xf32>
          %lt3A_468 = arith.cmpf olt, %mul3A_465, %lt3A_467 : vector<16xf32>
          %jit3A_469 = arith.constant 0xCB000000 : f32
          %jit3A_470 = arith.constant 0x4B000000 : f32
          %broadcast_in_dim3A_471 = vector.broadcast %jit3A_469 : f32 to vector<16xf32>
          %broadcast_in_dim3A_472 = vector.broadcast %jit3A_470 : f32 to vector<16xf32>
          %select_n3A_473 = arith.select %lt3A_468, %broadcast_in_dim3A_471, %broadcast_in_dim3A_472 : vector<16xi1>, vector<16xf32>
          %add3A_474 = arith.addf %mul3A_465, %select_n3A_473 : vector<16xf32>
          %sub3A_475 = arith.subf %add3A_474, %select_n3A_473 : vector<16xf32>
          %abs3A_476 = math.absf %mul3A_465 : vector<16xf32>
          %ge3A_477 = arith.constant 0x4B000000 : f32
          %ge3A_478 = vector.broadcast %ge3A_477 : f32 to vector<16xf32>
          %ge3A_479 = arith.cmpf oge, %abs3A_476, %ge3A_478 : vector<16xf32>
          %select_n3A_480 = arith.select %ge3A_479, %mul3A_465, %sub3A_475 : vector<16xi1>, vector<16xf32>
          %mul3A_481 = arith.constant 0.866025388 : f32
          %mul3A_482 = vector.broadcast %mul3A_481 : f32 to vector<16xf32>
          %mul3A_483 = arith.mulf %select_n3A_480, %mul3A_482 : vector<16xf32>
          %rem3A_484 = arith.constant 2.000000e+00 : f32
          %rem3A_485 = vector.broadcast %rem3A_484 : f32 to vector<16xf32>
          %rem3A_486 = arith.remf %select_n3A_480, %rem3A_485 : vector<16xf32>
          %ne3A_487 = arith.constant 0.000000e+00 : f32
          %ne3A_488 = vector.broadcast %ne3A_487 : f32 to vector<16xf32>
          %ne3A_489 = arith.cmpf one, %rem3A_486, %ne3A_488 : vector<16xf32>
          %jit3A_490 = arith.constant 5.000000e-01 : f32
          %jit3A_491 = arith.constant 0.000000e+00 : f32
          %broadcast_in_dim3A_492 = vector.broadcast %jit3A_490 : f32 to vector<16xf32>
          %broadcast_in_dim3A_493 = vector.broadcast %jit3A_491 : f32 to vector<16xf32>
          %select_n3A_494 = arith.select %ne3A_489, %broadcast_in_dim3A_492, %broadcast_in_dim3A_493 : vector<16xi1>, vector<16xf32>
          %add3A_495 = arith.addf %get3A_457, %select_n3A_494 : vector<16xf32>
          %lt3A_496 = arith.constant 0.000000e+00 : f32
          %lt3A_497 = vector.broadcast %lt3A_496 : f32 to vector<16xf32>
          %lt3A_498 = arith.cmpf olt, %add3A_495, %lt3A_497 : vector<16xf32>
          %jit3A_499 = arith.constant 0xCB000000 : f32
          %jit3A_500 = arith.constant 0x4B000000 : f32
          %broadcast_in_dim3A_501 = vector.broadcast %jit3A_499 : f32 to vector<16xf32>
          %broadcast_in_dim3A_502 = vector.broadcast %jit3A_500 : f32 to vector<16xf32>
          %select_n3A_503 = arith.select %lt3A_498, %broadcast_in_dim3A_501, %broadcast_in_dim3A_502 : vector<16xi1>, vector<16xf32>
          %add3A_504 = arith.addf %add3A_495, %select_n3A_503 : vector<16xf32>
          %sub3A_505 = arith.subf %add3A_504, %select_n3A_503 : vector<16xf32>
          %abs3A_506 = math.absf %add3A_495 : vector<16xf32>
          %ge3A_507 = arith.constant 0x4B000000 : f32
          %ge3A_508 = vector.broadcast %ge3A_507 : f32 to vector<16xf32>
          %ge3A_509 = arith.cmpf oge, %abs3A_506, %ge3A_508 : vector<16xf32>
          %select_n3A_510 = arith.select %ge3A_509, %add3A_495, %sub3A_505 : vector<16xi1>, vector<16xf32>
          %sub3A_511 = arith.subf %select_n3A_510, %select_n3A_494 : vector<16xf32>
          %swap3A_512 = arith.index_cast %add3A_454 : i32 to index
          %swap3A_513 = tpu.vector_load %arg4[%swap3A_512] {strides = array<i32>} : memref<16384xf32, #tpu.memory_space<vmem>>, vector<16xf32>,
          %swap3A_514 = vector.shape_cast %swap3A_513 : vector<16xf32> to vector<16xf32>
          %swap3A_515 = vector.shape_cast %sub3A_511 : vector<16xf32> to vector<16xf32>
          tpu.vector_store %arg4[%swap3A_512], %swap3A_515 {strides = array<i32>} : memref<16384xf32, #tpu.memory_space<vmem>>, vector<16xf32>,
          %add3A_516 = arith.constant 128 : i32
          %add3A_517 = arith.addi %add3A_454, %add3A_516 : i32
          %swap3A_518 = arith.index_cast %add3A_517 : i32 to index
          %swap3A_519 = tpu.vector_load %arg4[%swap3A_518] {strides = array<i32>} : memref<16384xf32, #tpu.memory_space<vmem>>, vector<16xf32>,
          %swap3A_520 = vector.shape_cast %swap3A_519 : vector<16xf32> to vector<16xf32>
          %swap3A_521 = vector.shape_cast %mul3A_483 : vector<16xf32> to vector<16xf32>
          tpu.vector_store %arg4[%swap3A_518], %swap3A_521 {strides = array<i32>} : memref<16384xf32, #tpu.memory_space<vmem>>, vector<16xf32>,
          %add3A_522 = arith.constant 112 : i32
          %add3A_523 = arith.addi %mul3A_47, %add3A_522 : i32
          %get3A_524 = arith.index_cast %add3A_523 : i32 to index
          %get3A_525 = tpu.vector_load %arg4[%get3A_524] {strides = array<i32>} : memref<16384xf32, #tpu.memory_space<vmem>>, vector<16xf32>,
          %get3A_526 = vector.shape_cast %get3A_525 : vector<16xf32> to vector<16xf32>
          %add3A_527 = arith.constant 128 : i32
          %add3A_528 = arith.addi %add3A_523, %add3A_527 : i32
          %get3A_529 = arith.index_cast %add3A_528 : i32 to index
          %get3A_530 = tpu.vector_load %arg4[%get3A_529] {strides = array<i32>} : memref<16384xf32, #tpu.memory_space<vmem>>, vector<16xf32>,
          %get3A_531 = vector.shape_cast %get3A_530 : vector<16xf32> to vector<16xf32>
          %mul3A_532 = arith.constant 1.15470052 : f32
          %mul3A_533 = vector.broadcast %mul3A_532 : f32 to vector<16xf32>
          %mul3A_534 = arith.mulf %get3A_531, %mul3A_533 : vector<16xf32>
          %lt3A_535 = arith.constant 0.000000e+00 : f32
          %lt3A_536 = vector.broadcast %lt3A_535 : f32 to vector<16xf32>
          %lt3A_537 = arith.cmpf olt, %mul3A_534, %lt3A_536 : vector<16xf32>
          %jit3A_538 = arith.constant 0xCB000000 : f32
          %jit3A_539 = arith.constant 0x4B000000 : f32
          %broadcast_in_dim3A_540 = vector.broadcast %jit3A_538 : f32 to vector<16xf32>
          %broadcast_in_dim3A_541 = vector.broadcast %jit3A_539 : f32 to vector<16xf32>
          %select_n3A_542 = arith.select %lt3A_537, %broadcast_in_dim3A_540, %broadcast_in_dim3A_541 : vector<16xi1>, vector<16xf32>
          %add3A_543 = arith.addf %mul3A_534, %select_n3A_542 : vector<16xf32>
          %sub3A_544 = arith.subf %add3A_543, %select_n3A_542 : vector<16xf32>
          %abs3A_545 = math.absf %mul3A_534 : vector<16xf32>
          %ge3A_546 = arith.constant 0x4B000000 : f32
          %ge3A_547 = vector.broadcast %ge3A_546 : f32 to vector<16xf32>
          %ge3A_548 = arith.cmpf oge, %abs3A_545, %ge3A_547 : vector<16xf32>
          %select_n3A_549 = arith.select %ge3A_548, %mul3A_534, %sub3A_544 : vector<16xi1>, vector<16xf32>
          %mul3A_550 = arith.constant 0.866025388 : f32
          %mul3A_551 = vector.broadcast %mul3A_550 : f32 to vector<16xf32>
          %mul3A_552 = arith.mulf %select_n3A_549, %mul3A_551 : vector<16xf32>
          %rem3A_553 = arith.constant 2.000000e+00 : f32
          %rem3A_554 = vector.broadcast %rem3A_553 : f32 to vector<16xf32>
          %rem3A_555 = arith.remf %select_n3A_549, %rem3A_554 : vector<16xf32>
          %ne3A_556 = arith.constant 0.000000e+00 : f32
          %ne3A_557 = vector.broadcast %ne3A_556 : f32 to vector<16xf32>
          %ne3A_558 = arith.cmpf one, %rem3A_555, %ne3A_557 : vector<16xf32>
          %jit3A_559 = arith.constant 5.000000e-01 : f32
          %jit3A_560 = arith.constant 0.000000e+00 : f32
          %broadcast_in_dim3A_561 = vector.broadcast %jit3A_559 : f32 to vector<16xf32>
          %broadcast_in_dim3A_562 = vector.broadcast %jit3A_560 : f32 to vector<16xf32>
          %select_n3A_563 = arith.select %ne3A_558, %broadcast_in_dim3A_561, %broadcast_in_dim3A_562 : vector<16xi1>, vector<16xf32>
          %add3A_564 = arith.addf %get3A_526, %select_n3A_563 : vector<16xf32>
          %lt3A_565 = arith.constant 0.000000e+00 : f32
          %lt3A_566 = vector.broadcast %lt3A_565 : f32 to vector<16xf32>
          %lt3A_567 = arith.cmpf olt, %add3A_564, %lt3A_566 : vector<16xf32>
          %jit3A_568 = arith.constant 0xCB000000 : f32
          %jit3A_569 = arith.constant 0x4B000000 : f32
          %broadcast_in_dim3A_570 = vector.broadcast %jit3A_568 : f32 to vector<16xf32>
          %broadcast_in_dim3A_571 = vector.broadcast %jit3A_569 : f32 to vector<16xf32>
          %select_n3A_572 = arith.select %lt3A_567, %broadcast_in_dim3A_570, %broadcast_in_dim3A_571 : vector<16xi1>, vector<16xf32>
          %add3A_573 = arith.addf %add3A_564, %select_n3A_572 : vector<16xf32>
          %sub3A_574 = arith.subf %add3A_573, %select_n3A_572 : vector<16xf32>
          %abs3A_575 = math.absf %add3A_564 : vector<16xf32>
          %ge3A_576 = arith.constant 0x4B000000 : f32
          %ge3A_577 = vector.broadcast %ge3A_576 : f32 to vector<16xf32>
          %ge3A_578 = arith.cmpf oge, %abs3A_575, %ge3A_577 : vector<16xf32>
          %select_n3A_579 = arith.select %ge3A_578, %add3A_564, %sub3A_574 : vector<16xi1>, vector<16xf32>
          %sub3A_580 = arith.subf %select_n3A_579, %select_n3A_563 : vector<16xf32>
          %swap3A_581 = arith.index_cast %add3A_523 : i32 to index
          %swap3A_582 = tpu.vector_load %arg4[%swap3A_581] {strides = array<i32>} : memref<16384xf32, #tpu.memory_space<vmem>>, vector<16xf32>,
          %swap3A_583 = vector.shape_cast %swap3A_582 : vector<16xf32> to vector<16xf32>
          %swap3A_584 = vector.shape_cast %sub3A_580 : vector<16xf32> to vector<16xf32>
          tpu.vector_store %arg4[%swap3A_581], %swap3A_584 {strides = array<i32>} : memref<16384xf32, #tpu.memory_space<vmem>>, vector<16xf32>,
          %add3A_585 = arith.constant 128 : i32
          %add3A_586 = arith.addi %add3A_523, %add3A_585 : i32
          %swap3A_587 = arith.index_cast %add3A_586 : i32 to index
          %swap3A_588 = tpu.vector_load %arg4[%swap3A_587] {strides = array<i32>} : memref<16384xf32, #tpu.memory_space<vmem>>, vector<16xf32>,
          %swap3A_589 = vector.shape_cast %swap3A_588 : vector<16xf32> to vector<16xf32>
          %swap3A_590 = vector.shape_cast %mul3A_552 : vector<16xf32> to vector<16xf32>
          tpu.vector_store %arg4[%swap3A_587], %swap3A_590 {strides = array<i32>} : memref<16384xf32, #tpu.memory_space<vmem>>, vector<16xf32>,
          %scan3A_591 = arith.constant 0 : i32
          scf.yield %scan3A_591 : i32
        }
        %scan3A_38 = arith.constant 64 : i32
        %mul3A_39 = arith.constant 16384 : i32
        %mul3A_40 = arith.muli %scan3A_13, %mul3A_39 : i32
        %add3A_41 = arith.addi %mul3A_2, %mul3A_40 : i32
        %dma_start3A_42 = tpu.memref_slice %arg3[%add3A_41] : memref<8388608xf32, #tpu.memory_space<hbm>> -> memref<16384xf32, #tpu.memory_space<hbm>>
        %dma_start3A_43 = tpu.memref_slice %arg3[%add3A_41] : memref<8388608xf32, #tpu.memory_space<hbm>> -> memref<16384xf32, #tpu.memory_space<hbm>>
        tpu.enqueue_dma source(%arg4 : memref<16384xf32, #tpu.memory_space<vmem>>) target(%dma_start3A_43 : memref<16384xf32, #tpu.memory_space<hbm>>) target_semaphore(%arg8 : memref<!tpu.dma_semaphore, #tpu.memory_space<semaphore_mem>>)
      } else {
      }
      %eq3A_18 = arith.constant 1 : i32
      %eq3A_19 = arith.cmpi eq, %rem3A_15, %eq3A_18 : i32
      %convert_element_type3A_20 = arith.extui %eq3A_19 : i1 to i32
      %cond3A_21 = arith.constant 0 : i32
      %cond3A_22 = arith.cmpi ne, %convert_element_type3A_20, %cond3A_21 : i32
      scf.if %cond3A_22 {
        %dma_wait3A_24 = tpu.memref_slice %arg2[%mul3A_2] : memref<8388608xf32, #tpu.memory_space<hbm>> -> memref<16384xf32, #tpu.memory_space<hbm>>
        %dma_wait3A_25 = tpu.memref_slice %arg2[%mul3A_2] : memref<8388608xf32, #tpu.memory_space<hbm>> -> memref<16384xf32, #tpu.memory_space<hbm>>
        tpu.wait_dma2 semaphore(%arg7 : memref<!tpu.dma_semaphore, #tpu.memory_space<semaphore_mem>>) src(%dma_wait3A_25 : memref<16384xf32, #tpu.memory_space<hbm>>) dst(%arg5 : memref<16384xf32, #tpu.memory_space<vmem>>)
        %add3A_26 = arith.constant 1 : i32
        %add3A_27 = arith.addi %scan3A_13, %add3A_26 : i32
        %lt3A = arith.constant 16 : i32
        %lt3A_28 = arith.cmpi slt, %add3A_27, %lt3A : i32
        %convert_element_type3A_29 = arith.extui %lt3A_28 : i1 to i32
        %cond3A_30 = arith.constant 0 : i32
        %cond3A_31 = arith.cmpi ne, %convert_element_type3A_29, %cond3A_30 : i32
        scf.if %cond3A_31 {
          %ge3A = arith.constant 1 : i32
          %ge3A_44 = arith.cmpi sge, %scan3A_13, %ge3A : i32
          %convert_element_type3A_45 = arith.extui %ge3A_44 : i1 to i32
          %cond3A_46 = arith.constant 0 : i32
          %cond3A_47 = arith.cmpi ne, %convert_element_type3A_45, %cond3A_46 : i32
          scf.if %cond3A_47 {
            %dma_wait3A_55 = tpu.memref_slice %arg3[%mul3A_2] : memref<8388608xf32, #tpu.memory_space<hbm>> -> memref<16384xf32, #tpu.memory_space<hbm>>
            %dma_wait3A_56 = tpu.memref_slice %arg3[%mul3A_2] : memref<8388608xf32, #tpu.memory_space<hbm>> -> memref<16384xf32, #tpu.memory_space<hbm>>
            tpu.wait_dma2 semaphore(%arg8 : memref<!tpu.dma_semaphore, #tpu.memory_space<semaphore_mem>>) src(%arg4 : memref<16384xf32, #tpu.memory_space<vmem>>) dst(%dma_wait3A_56 : memref<16384xf32, #tpu.memory_space<hbm>>)
          } else {
          }
          %add3A_48 = arith.constant 1 : i32
          %add3A_49 = arith.addi %scan3A_13, %add3A_48 : i32
          %mul3A_50 = arith.constant 16384 : i32
          %mul3A_51 = arith.muli %add3A_49, %mul3A_50 : i32
          %add3A_52 = arith.addi %mul3A_2, %mul3A_51 : i32
          %dma_start3A_53 = tpu.memref_slice %arg2[%add3A_52] : memref<8388608xf32, #tpu.memory_space<hbm>> -> memref<16384xf32, #tpu.memory_space<hbm>>
          %dma_start3A_54 = tpu.memref_slice %arg2[%add3A_52] : memref<8388608xf32, #tpu.memory_space<hbm>> -> memref<16384xf32, #tpu.memory_space<hbm>>
          tpu.enqueue_dma source(%dma_start3A_54 : memref<16384xf32, #tpu.memory_space<hbm>>) target(%arg4 : memref<16384xf32, #tpu.memory_space<vmem>>) target_semaphore(%arg6 : memref<!tpu.dma_semaphore, #tpu.memory_space<semaphore_mem>>)
        } else {
        }
        %scan3A_32 = arith.constant 0 : i32
        %scan3A_33 = arith.constant 0 : i32
        %scan3A_34 = arith.constant 64 : i32
        %scan3A_35 = arith.addi %scan3A_33, %scan3A_34 : i32
        %scan3A_36 = arith.constant 1 : i32
        %scan3A_37 = scf.for %scan3A_44 = %scan3A_33 to %scan3A_35 step %scan3A_36 iter_args(%scan3A_45 = %scan3A_32) -> (i32)  : i32 {
          %mul3A_46 = arith.constant 256 : i32
          %mul3A_47 = arith.muli %scan3A_44, %mul3A_46 : i32
          %add3A_48 = arith.constant 0 : i32
          %add3A_49 = arith.addi %mul3A_47, %add3A_48 : i32
          %get3A = arith.index_cast %add3A_49 : i32 to index
          %get3A_50 = tpu.vector_load %arg5[%get3A] {strides = array<i32>} : memref<16384xf32, #tpu.memory_space<vmem>>, vector<16xf32>,
          %get3A_51 = vector.shape_cast %get3A_50 : vector<16xf32> to vector<16xf32>
          %add3A_52 = arith.constant 128 : i32
          %add3A_53 = arith.addi %add3A_49, %add3A_52 : i32
          %get3A_54 = arith.index_cast %add3A_53 : i32 to index
          %get3A_55 = tpu.vector_load %arg5[%get3A_54] {strides = array<i32>} : memref<16384xf32, #tpu.memory_space<vmem>>, vector<16xf32>,
          %get3A_56 = vector.shape_cast %get3A_55 : vector<16xf32> to vector<16xf32>
          %mul3A_57 = arith.constant 1.15470052 : f32
          %mul3A_58 = vector.broadcast %mul3A_57 : f32 to vector<16xf32>
          %mul3A_59 = arith.mulf %get3A_56, %mul3A_58 : vector<16xf32>
          %lt3A_60 = arith.constant 0.000000e+00 : f32
          %lt3A_61 = vector.broadcast %lt3A_60 : f32 to vector<16xf32>
          %lt3A_62 = arith.cmpf olt, %mul3A_59, %lt3A_61 : vector<16xf32>
          %jit3A = arith.constant 0xCB000000 : f32
          %jit3A_63 = arith.constant 0x4B000000 : f32
          %broadcast_in_dim3A = vector.broadcast %jit3A : f32 to vector<16xf32>
          %broadcast_in_dim3A_64 = vector.broadcast %jit3A_63 : f32 to vector<16xf32>
          %select_n3A = arith.select %lt3A_62, %broadcast_in_dim3A, %broadcast_in_dim3A_64 : vector<16xi1>, vector<16xf32>
          %add3A_65 = arith.addf %mul3A_59, %select_n3A : vector<16xf32>
          %sub3A = arith.subf %add3A_65, %select_n3A : vector<16xf32>
          %abs3A = math.absf %mul3A_59 : vector<16xf32>
          %ge3A = arith.constant 0x4B000000 : f32
          %ge3A_66 = vector.broadcast %ge3A : f32 to vector<16xf32>
          %ge3A_67 = arith.cmpf oge, %abs3A, %ge3A_66 : vector<16xf32>
          %select_n3A_68 = arith.select %ge3A_67, %mul3A_59, %sub3A : vector<16xi1>, vector<16xf32>
          %mul3A_69 = arith.constant 0.866025388 : f32
          %mul3A_70 = vector.broadcast %mul3A_69 : f32 to vector<16xf32>
          %mul3A_71 = arith.mulf %select_n3A_68, %mul3A_70 : vector<16xf32>
          %rem3A_72 = arith.constant 2.000000e+00 : f32
          %rem3A_73 = vector.broadcast %rem3A_72 : f32 to vector<16xf32>
          %rem3A_74 = arith.remf %select_n3A_68, %rem3A_73 : vector<16xf32>
          %ne3A = arith.constant 0.000000e+00 : f32
          %ne3A_75 = vector.broadcast %ne3A : f32 to vector<16xf32>
          %ne3A_76 = arith.cmpf one, %rem3A_74, %ne3A_75 : vector<16xf32>
          %jit3A_77 = arith.constant 5.000000e-01 : f32
          %jit3A_78 = arith.constant 0.000000e+00 : f32
          %broadcast_in_dim3A_79 = vector.broadcast %jit3A_77 : f32 to vector<16xf32>
          %broadcast_in_dim3A_80 = vector.broadcast %jit3A_78 : f32 to vector<16xf32>
          %select_n3A_81 = arith.select %ne3A_76, %broadcast_in_dim3A_79, %broadcast_in_dim3A_80 : vector<16xi1>, vector<16xf32>
          %add3A_82 = arith.addf %get3A_51, %select_n3A_81 : vector<16xf32>
          %lt3A_83 = arith.constant 0.000000e+00 : f32
          %lt3A_84 = vector.broadcast %lt3A_83 : f32 to vector<16xf32>
          %lt3A_85 = arith.cmpf olt, %add3A_82, %lt3A_84 : vector<16xf32>
          %jit3A_86 = arith.constant 0xCB000000 : f32
          %jit3A_87 = arith.constant 0x4B000000 : f32
          %broadcast_in_dim3A_88 = vector.broadcast %jit3A_86 : f32 to vector<16xf32>
          %broadcast_in_dim3A_89 = vector.broadcast %jit3A_87 : f32 to vector<16xf32>
          %select_n3A_90 = arith.select %lt3A_85, %broadcast_in_dim3A_88, %broadcast_in_dim3A_89 : vector<16xi1>, vector<16xf32>
          %add3A_91 = arith.addf %add3A_82, %select_n3A_90 : vector<16xf32>
          %sub3A_92 = arith.subf %add3A_91, %select_n3A_90 : vector<16xf32>
          %abs3A_93 = math.absf %add3A_82 : vector<16xf32>
          %ge3A_94 = arith.constant 0x4B000000 : f32
          %ge3A_95 = vector.broadcast %ge3A_94 : f32 to vector<16xf32>
          %ge3A_96 = arith.cmpf oge, %abs3A_93, %ge3A_95 : vector<16xf32>
          %select_n3A_97 = arith.select %ge3A_96, %add3A_82, %sub3A_92 : vector<16xi1>, vector<16xf32>
          %sub3A_98 = arith.subf %select_n3A_97, %select_n3A_81 : vector<16xf32>
          %swap3A = arith.index_cast %add3A_49 : i32 to index
          %swap3A_99 = tpu.vector_load %arg5[%swap3A] {strides = array<i32>} : memref<16384xf32, #tpu.memory_space<vmem>>, vector<16xf32>,
          %swap3A_100 = vector.shape_cast %swap3A_99 : vector<16xf32> to vector<16xf32>
          %swap3A_101 = vector.shape_cast %sub3A_98 : vector<16xf32> to vector<16xf32>
          tpu.vector_store %arg5[%swap3A], %swap3A_101 {strides = array<i32>} : memref<16384xf32, #tpu.memory_space<vmem>>, vector<16xf32>,
          %add3A_102 = arith.constant 128 : i32
          %add3A_103 = arith.addi %add3A_49, %add3A_102 : i32
          %swap3A_104 = arith.index_cast %add3A_103 : i32 to index
          %swap3A_105 = tpu.vector_load %arg5[%swap3A_104] {strides = array<i32>} : memref<16384xf32, #tpu.memory_space<vmem>>, vector<16xf32>,
          %swap3A_106 = vector.shape_cast %swap3A_105 : vector<16xf32> to vector<16xf32>
          %swap3A_107 = vector.shape_cast %mul3A_71 : vector<16xf32> to vector<16xf32>
          tpu.vector_store %arg5[%swap3A_104], %swap3A_107 {strides = array<i32>} : memref<16384xf32, #tpu.memory_space<vmem>>, vector<16xf32>,
          %add3A_108 = arith.constant 16 : i32
          %add3A_109 = arith.addi %mul3A_47, %add3A_108 : i32
          %get3A_110 = arith.index_cast %add3A_109 : i32 to index
          %get3A_111 = tpu.vector_load %arg5[%get3A_110] {strides = array<i32>} : memref<16384xf32, #tpu.memory_space<vmem>>, vector<16xf32>,
          %get3A_112 = vector.shape_cast %get3A_111 : vector<16xf32> to vector<16xf32>
          %add3A_113 = arith.constant 128 : i32
          %add3A_114 = arith.addi %add3A_109, %add3A_113 : i32
          %get3A_115 = arith.index_cast %add3A_114 : i32 to index
          %get3A_116 = tpu.vector_load %arg5[%get3A_115] {strides = array<i32>} : memref<16384xf32, #tpu.memory_space<vmem>>, vector<16xf32>,
          %get3A_117 = vector.shape_cast %get3A_116 : vector<16xf32> to vector<16xf32>
          %mul3A_118 = arith.constant 1.15470052 : f32
          %mul3A_119 = vector.broadcast %mul3A_118 : f32 to vector<16xf32>
          %mul3A_120 = arith.mulf %get3A_117, %mul3A_119 : vector<16xf32>
          %lt3A_121 = arith.constant 0.000000e+00 : f32
          %lt3A_122 = vector.broadcast %lt3A_121 : f32 to vector<16xf32>
          %lt3A_123 = arith.cmpf olt, %mul3A_120, %lt3A_122 : vector<16xf32>
          %jit3A_124 = arith.constant 0xCB000000 : f32
          %jit3A_125 = arith.constant 0x4B000000 : f32
          %broadcast_in_dim3A_126 = vector.broadcast %jit3A_124 : f32 to vector<16xf32>
          %broadcast_in_dim3A_127 = vector.broadcast %jit3A_125 : f32 to vector<16xf32>
          %select_n3A_128 = arith.select %lt3A_123, %broadcast_in_dim3A_126, %broadcast_in_dim3A_127 : vector<16xi1>, vector<16xf32>
          %add3A_129 = arith.addf %mul3A_120, %select_n3A_128 : vector<16xf32>
          %sub3A_130 = arith.subf %add3A_129, %select_n3A_128 : vector<16xf32>
          %abs3A_131 = math.absf %mul3A_120 : vector<16xf32>
          %ge3A_132 = arith.constant 0x4B000000 : f32
          %ge3A_133 = vector.broadcast %ge3A_132 : f32 to vector<16xf32>
          %ge3A_134 = arith.cmpf oge, %abs3A_131, %ge3A_133 : vector<16xf32>
          %select_n3A_135 = arith.select %ge3A_134, %mul3A_120, %sub3A_130 : vector<16xi1>, vector<16xf32>
          %mul3A_136 = arith.constant 0.866025388 : f32
          %mul3A_137 = vector.broadcast %mul3A_136 : f32 to vector<16xf32>
          %mul3A_138 = arith.mulf %select_n3A_135, %mul3A_137 : vector<16xf32>
          %rem3A_139 = arith.constant 2.000000e+00 : f32
          %rem3A_140 = vector.broadcast %rem3A_139 : f32 to vector<16xf32>
          %rem3A_141 = arith.remf %select_n3A_135, %rem3A_140 : vector<16xf32>
          %ne3A_142 = arith.constant 0.000000e+00 : f32
          %ne3A_143 = vector.broadcast %ne3A_142 : f32 to vector<16xf32>
          %ne3A_144 = arith.cmpf one, %rem3A_141, %ne3A_143 : vector<16xf32>
          %jit3A_145 = arith.constant 5.000000e-01 : f32
          %jit3A_146 = arith.constant 0.000000e+00 : f32
          %broadcast_in_dim3A_147 = vector.broadcast %jit3A_145 : f32 to vector<16xf32>
          %broadcast_in_dim3A_148 = vector.broadcast %jit3A_146 : f32 to vector<16xf32>
          %select_n3A_149 = arith.select %ne3A_144, %broadcast_in_dim3A_147, %broadcast_in_dim3A_148 : vector<16xi1>, vector<16xf32>
          %add3A_150 = arith.addf %get3A_112, %select_n3A_149 : vector<16xf32>
          %lt3A_151 = arith.constant 0.000000e+00 : f32
          %lt3A_152 = vector.broadcast %lt3A_151 : f32 to vector<16xf32>
          %lt3A_153 = arith.cmpf olt, %add3A_150, %lt3A_152 : vector<16xf32>
          %jit3A_154 = arith.constant 0xCB000000 : f32
          %jit3A_155 = arith.constant 0x4B000000 : f32
          %broadcast_in_dim3A_156 = vector.broadcast %jit3A_154 : f32 to vector<16xf32>
          %broadcast_in_dim3A_157 = vector.broadcast %jit3A_155 : f32 to vector<16xf32>
          %select_n3A_158 = arith.select %lt3A_153, %broadcast_in_dim3A_156, %broadcast_in_dim3A_157 : vector<16xi1>, vector<16xf32>
          %add3A_159 = arith.addf %add3A_150, %select_n3A_158 : vector<16xf32>
          %sub3A_160 = arith.subf %add3A_159, %select_n3A_158 : vector<16xf32>
          %abs3A_161 = math.absf %add3A_150 : vector<16xf32>
          %ge3A_162 = arith.constant 0x4B000000 : f32
          %ge3A_163 = vector.broadcast %ge3A_162 : f32 to vector<16xf32>
          %ge3A_164 = arith.cmpf oge, %abs3A_161, %ge3A_163 : vector<16xf32>
          %select_n3A_165 = arith.select %ge3A_164, %add3A_150, %sub3A_160 : vector<16xi1>, vector<16xf32>
          %sub3A_166 = arith.subf %select_n3A_165, %select_n3A_149 : vector<16xf32>
          %swap3A_167 = arith.index_cast %add3A_109 : i32 to index
          %swap3A_168 = tpu.vector_load %arg5[%swap3A_167] {strides = array<i32>} : memref<16384xf32, #tpu.memory_space<vmem>>, vector<16xf32>,
          %swap3A_169 = vector.shape_cast %swap3A_168 : vector<16xf32> to vector<16xf32>
          %swap3A_170 = vector.shape_cast %sub3A_166 : vector<16xf32> to vector<16xf32>
          tpu.vector_store %arg5[%swap3A_167], %swap3A_170 {strides = array<i32>} : memref<16384xf32, #tpu.memory_space<vmem>>, vector<16xf32>,
          %add3A_171 = arith.constant 128 : i32
          %add3A_172 = arith.addi %add3A_109, %add3A_171 : i32
          %swap3A_173 = arith.index_cast %add3A_172 : i32 to index
          %swap3A_174 = tpu.vector_load %arg5[%swap3A_173] {strides = array<i32>} : memref<16384xf32, #tpu.memory_space<vmem>>, vector<16xf32>,
          %swap3A_175 = vector.shape_cast %swap3A_174 : vector<16xf32> to vector<16xf32>
          %swap3A_176 = vector.shape_cast %mul3A_138 : vector<16xf32> to vector<16xf32>
          tpu.vector_store %arg5[%swap3A_173], %swap3A_176 {strides = array<i32>} : memref<16384xf32, #tpu.memory_space<vmem>>, vector<16xf32>,
          %add3A_177 = arith.constant 32 : i32
          %add3A_178 = arith.addi %mul3A_47, %add3A_177 : i32
          %get3A_179 = arith.index_cast %add3A_178 : i32 to index
          %get3A_180 = tpu.vector_load %arg5[%get3A_179] {strides = array<i32>} : memref<16384xf32, #tpu.memory_space<vmem>>, vector<16xf32>,
          %get3A_181 = vector.shape_cast %get3A_180 : vector<16xf32> to vector<16xf32>
          %add3A_182 = arith.constant 128 : i32
          %add3A_183 = arith.addi %add3A_178, %add3A_182 : i32
          %get3A_184 = arith.index_cast %add3A_183 : i32 to index
          %get3A_185 = tpu.vector_load %arg5[%get3A_184] {strides = array<i32>} : memref<16384xf32, #tpu.memory_space<vmem>>, vector<16xf32>,
          %get3A_186 = vector.shape_cast %get3A_185 : vector<16xf32> to vector<16xf32>
          %mul3A_187 = arith.constant 1.15470052 : f32
          %mul3A_188 = vector.broadcast %mul3A_187 : f32 to vector<16xf32>
          %mul3A_189 = arith.mulf %get3A_186, %mul3A_188 : vector<16xf32>
          %lt3A_190 = arith.constant 0.000000e+00 : f32
          %lt3A_191 = vector.broadcast %lt3A_190 : f32 to vector<16xf32>
          %lt3A_192 = arith.cmpf olt, %mul3A_189, %lt3A_191 : vector<16xf32>
          %jit3A_193 = arith.constant 0xCB000000 : f32
          %jit3A_194 = arith.constant 0x4B000000 : f32
          %broadcast_in_dim3A_195 = vector.broadcast %jit3A_193 : f32 to vector<16xf32>
          %broadcast_in_dim3A_196 = vector.broadcast %jit3A_194 : f32 to vector<16xf32>
          %select_n3A_197 = arith.select %lt3A_192, %broadcast_in_dim3A_195, %broadcast_in_dim3A_196 : vector<16xi1>, vector<16xf32>
          %add3A_198 = arith.addf %mul3A_189, %select_n3A_197 : vector<16xf32>
          %sub3A_199 = arith.subf %add3A_198, %select_n3A_197 : vector<16xf32>
          %abs3A_200 = math.absf %mul3A_189 : vector<16xf32>
          %ge3A_201 = arith.constant 0x4B000000 : f32
          %ge3A_202 = vector.broadcast %ge3A_201 : f32 to vector<16xf32>
          %ge3A_203 = arith.cmpf oge, %abs3A_200, %ge3A_202 : vector<16xf32>
          %select_n3A_204 = arith.select %ge3A_203, %mul3A_189, %sub3A_199 : vector<16xi1>, vector<16xf32>
          %mul3A_205 = arith.constant 0.866025388 : f32
          %mul3A_206 = vector.broadcast %mul3A_205 : f32 to vector<16xf32>
          %mul3A_207 = arith.mulf %select_n3A_204, %mul3A_206 : vector<16xf32>
          %rem3A_208 = arith.constant 2.000000e+00 : f32
          %rem3A_209 = vector.broadcast %rem3A_208 : f32 to vector<16xf32>
          %rem3A_210 = arith.remf %select_n3A_204, %rem3A_209 : vector<16xf32>
          %ne3A_211 = arith.constant 0.000000e+00 : f32
          %ne3A_212 = vector.broadcast %ne3A_211 : f32 to vector<16xf32>
          %ne3A_213 = arith.cmpf one, %rem3A_210, %ne3A_212 : vector<16xf32>
          %jit3A_214 = arith.constant 5.000000e-01 : f32
          %jit3A_215 = arith.constant 0.000000e+00 : f32
          %broadcast_in_dim3A_216 = vector.broadcast %jit3A_214 : f32 to vector<16xf32>
          %broadcast_in_dim3A_217 = vector.broadcast %jit3A_215 : f32 to vector<16xf32>
          %select_n3A_218 = arith.select %ne3A_213, %broadcast_in_dim3A_216, %broadcast_in_dim3A_217 : vector<16xi1>, vector<16xf32>
          %add3A_219 = arith.addf %get3A_181, %select_n3A_218 : vector<16xf32>
          %lt3A_220 = arith.constant 0.000000e+00 : f32
          %lt3A_221 = vector.broadcast %lt3A_220 : f32 to vector<16xf32>
          %lt3A_222 = arith.cmpf olt, %add3A_219, %lt3A_221 : vector<16xf32>
          %jit3A_223 = arith.constant 0xCB000000 : f32
          %jit3A_224 = arith.constant 0x4B000000 : f32
          %broadcast_in_dim3A_225 = vector.broadcast %jit3A_223 : f32 to vector<16xf32>
          %broadcast_in_dim3A_226 = vector.broadcast %jit3A_224 : f32 to vector<16xf32>
          %select_n3A_227 = arith.select %lt3A_222, %broadcast_in_dim3A_225, %broadcast_in_dim3A_226 : vector<16xi1>, vector<16xf32>
          %add3A_228 = arith.addf %add3A_219, %select_n3A_227 : vector<16xf32>
          %sub3A_229 = arith.subf %add3A_228, %select_n3A_227 : vector<16xf32>
          %abs3A_230 = math.absf %add3A_219 : vector<16xf32>
          %ge3A_231 = arith.constant 0x4B000000 : f32
          %ge3A_232 = vector.broadcast %ge3A_231 : f32 to vector<16xf32>
          %ge3A_233 = arith.cmpf oge, %abs3A_230, %ge3A_232 : vector<16xf32>
          %select_n3A_234 = arith.select %ge3A_233, %add3A_219, %sub3A_229 : vector<16xi1>, vector<16xf32>
          %sub3A_235 = arith.subf %select_n3A_234, %select_n3A_218 : vector<16xf32>
          %swap3A_236 = arith.index_cast %add3A_178 : i32 to index
          %swap3A_237 = tpu.vector_load %arg5[%swap3A_236] {strides = array<i32>} : memref<16384xf32, #tpu.memory_space<vmem>>, vector<16xf32>,
          %swap3A_238 = vector.shape_cast %swap3A_237 : vector<16xf32> to vector<16xf32>
          %swap3A_239 = vector.shape_cast %sub3A_235 : vector<16xf32> to vector<16xf32>
          tpu.vector_store %arg5[%swap3A_236], %swap3A_239 {strides = array<i32>} : memref<16384xf32, #tpu.memory_space<vmem>>, vector<16xf32>,
          %add3A_240 = arith.constant 128 : i32
          %add3A_241 = arith.addi %add3A_178, %add3A_240 : i32
          %swap3A_242 = arith.index_cast %add3A_241 : i32 to index
          %swap3A_243 = tpu.vector_load %arg5[%swap3A_242] {strides = array<i32>} : memref<16384xf32, #tpu.memory_space<vmem>>, vector<16xf32>,
          %swap3A_244 = vector.shape_cast %swap3A_243 : vector<16xf32> to vector<16xf32>
          %swap3A_245 = vector.shape_cast %mul3A_207 : vector<16xf32> to vector<16xf32>
          tpu.vector_store %arg5[%swap3A_242], %swap3A_245 {strides = array<i32>} : memref<16384xf32, #tpu.memory_space<vmem>>, vector<16xf32>,
          %add3A_246 = arith.constant 48 : i32
          %add3A_247 = arith.addi %mul3A_47, %add3A_246 : i32
          %get3A_248 = arith.index_cast %add3A_247 : i32 to index
          %get3A_249 = tpu.vector_load %arg5[%get3A_248] {strides = array<i32>} : memref<16384xf32, #tpu.memory_space<vmem>>, vector<16xf32>,
          %get3A_250 = vector.shape_cast %get3A_249 : vector<16xf32> to vector<16xf32>
          %add3A_251 = arith.constant 128 : i32
          %add3A_252 = arith.addi %add3A_247, %add3A_251 : i32
          %get3A_253 = arith.index_cast %add3A_252 : i32 to index
          %get3A_254 = tpu.vector_load %arg5[%get3A_253] {strides = array<i32>} : memref<16384xf32, #tpu.memory_space<vmem>>, vector<16xf32>,
          %get3A_255 = vector.shape_cast %get3A_254 : vector<16xf32> to vector<16xf32>
          %mul3A_256 = arith.constant 1.15470052 : f32
          %mul3A_257 = vector.broadcast %mul3A_256 : f32 to vector<16xf32>
          %mul3A_258 = arith.mulf %get3A_255, %mul3A_257 : vector<16xf32>
          %lt3A_259 = arith.constant 0.000000e+00 : f32
          %lt3A_260 = vector.broadcast %lt3A_259 : f32 to vector<16xf32>
          %lt3A_261 = arith.cmpf olt, %mul3A_258, %lt3A_260 : vector<16xf32>
          %jit3A_262 = arith.constant 0xCB000000 : f32
          %jit3A_263 = arith.constant 0x4B000000 : f32
          %broadcast_in_dim3A_264 = vector.broadcast %jit3A_262 : f32 to vector<16xf32>
          %broadcast_in_dim3A_265 = vector.broadcast %jit3A_263 : f32 to vector<16xf32>
          %select_n3A_266 = arith.select %lt3A_261, %broadcast_in_dim3A_264, %broadcast_in_dim3A_265 : vector<16xi1>, vector<16xf32>
          %add3A_267 = arith.addf %mul3A_258, %select_n3A_266 : vector<16xf32>
          %sub3A_268 = arith.subf %add3A_267, %select_n3A_266 : vector<16xf32>
          %abs3A_269 = math.absf %mul3A_258 : vector<16xf32>
          %ge3A_270 = arith.constant 0x4B000000 : f32
          %ge3A_271 = vector.broadcast %ge3A_270 : f32 to vector<16xf32>
          %ge3A_272 = arith.cmpf oge, %abs3A_269, %ge3A_271 : vector<16xf32>
          %select_n3A_273 = arith.select %ge3A_272, %mul3A_258, %sub3A_268 : vector<16xi1>, vector<16xf32>
          %mul3A_274 = arith.constant 0.866025388 : f32
          %mul3A_275 = vector.broadcast %mul3A_274 : f32 to vector<16xf32>
          %mul3A_276 = arith.mulf %select_n3A_273, %mul3A_275 : vector<16xf32>
          %rem3A_277 = arith.constant 2.000000e+00 : f32
          %rem3A_278 = vector.broadcast %rem3A_277 : f32 to vector<16xf32>
          %rem3A_279 = arith.remf %select_n3A_273, %rem3A_278 : vector<16xf32>
          %ne3A_280 = arith.constant 0.000000e+00 : f32
          %ne3A_281 = vector.broadcast %ne3A_280 : f32 to vector<16xf32>
          %ne3A_282 = arith.cmpf one, %rem3A_279, %ne3A_281 : vector<16xf32>
          %jit3A_283 = arith.constant 5.000000e-01 : f32
          %jit3A_284 = arith.constant 0.000000e+00 : f32
          %broadcast_in_dim3A_285 = vector.broadcast %jit3A_283 : f32 to vector<16xf32>
          %broadcast_in_dim3A_286 = vector.broadcast %jit3A_284 : f32 to vector<16xf32>
          %select_n3A_287 = arith.select %ne3A_282, %broadcast_in_dim3A_285, %broadcast_in_dim3A_286 : vector<16xi1>, vector<16xf32>
          %add3A_288 = arith.addf %get3A_250, %select_n3A_287 : vector<16xf32>
          %lt3A_289 = arith.constant 0.000000e+00 : f32
          %lt3A_290 = vector.broadcast %lt3A_289 : f32 to vector<16xf32>
          %lt3A_291 = arith.cmpf olt, %add3A_288, %lt3A_290 : vector<16xf32>
          %jit3A_292 = arith.constant 0xCB000000 : f32
          %jit3A_293 = arith.constant 0x4B000000 : f32
          %broadcast_in_dim3A_294 = vector.broadcast %jit3A_292 : f32 to vector<16xf32>
          %broadcast_in_dim3A_295 = vector.broadcast %jit3A_293 : f32 to vector<16xf32>
          %select_n3A_296 = arith.select %lt3A_291, %broadcast_in_dim3A_294, %broadcast_in_dim3A_295 : vector<16xi1>, vector<16xf32>
          %add3A_297 = arith.addf %add3A_288, %select_n3A_296 : vector<16xf32>
          %sub3A_298 = arith.subf %add3A_297, %select_n3A_296 : vector<16xf32>
          %abs3A_299 = math.absf %add3A_288 : vector<16xf32>
          %ge3A_300 = arith.constant 0x4B000000 : f32
          %ge3A_301 = vector.broadcast %ge3A_300 : f32 to vector<16xf32>
          %ge3A_302 = arith.cmpf oge, %abs3A_299, %ge3A_301 : vector<16xf32>
          %select_n3A_303 = arith.select %ge3A_302, %add3A_288, %sub3A_298 : vector<16xi1>, vector<16xf32>
          %sub3A_304 = arith.subf %select_n3A_303, %select_n3A_287 : vector<16xf32>
          %swap3A_305 = arith.index_cast %add3A_247 : i32 to index
          %swap3A_306 = tpu.vector_load %arg5[%swap3A_305] {strides = array<i32>} : memref<16384xf32, #tpu.memory_space<vmem>>, vector<16xf32>,
          %swap3A_307 = vector.shape_cast %swap3A_306 : vector<16xf32> to vector<16xf32>
          %swap3A_308 = vector.shape_cast %sub3A_304 : vector<16xf32> to vector<16xf32>
          tpu.vector_store %arg5[%swap3A_305], %swap3A_308 {strides = array<i32>} : memref<16384xf32, #tpu.memory_space<vmem>>, vector<16xf32>,
          %add3A_309 = arith.constant 128 : i32
          %add3A_310 = arith.addi %add3A_247, %add3A_309 : i32
          %swap3A_311 = arith.index_cast %add3A_310 : i32 to index
          %swap3A_312 = tpu.vector_load %arg5[%swap3A_311] {strides = array<i32>} : memref<16384xf32, #tpu.memory_space<vmem>>, vector<16xf32>,
          %swap3A_313 = vector.shape_cast %swap3A_312 : vector<16xf32> to vector<16xf32>
          %swap3A_314 = vector.shape_cast %mul3A_276 : vector<16xf32> to vector<16xf32>
          tpu.vector_store %arg5[%swap3A_311], %swap3A_314 {strides = array<i32>} : memref<16384xf32, #tpu.memory_space<vmem>>, vector<16xf32>,
          %add3A_315 = arith.constant 64 : i32
          %add3A_316 = arith.addi %mul3A_47, %add3A_315 : i32
          %get3A_317 = arith.index_cast %add3A_316 : i32 to index
          %get3A_318 = tpu.vector_load %arg5[%get3A_317] {strides = array<i32>} : memref<16384xf32, #tpu.memory_space<vmem>>, vector<16xf32>,
          %get3A_319 = vector.shape_cast %get3A_318 : vector<16xf32> to vector<16xf32>
          %add3A_320 = arith.constant 128 : i32
          %add3A_321 = arith.addi %add3A_316, %add3A_320 : i32
          %get3A_322 = arith.index_cast %add3A_321 : i32 to index
          %get3A_323 = tpu.vector_load %arg5[%get3A_322] {strides = array<i32>} : memref<16384xf32, #tpu.memory_space<vmem>>, vector<16xf32>,
          %get3A_324 = vector.shape_cast %get3A_323 : vector<16xf32> to vector<16xf32>
          %mul3A_325 = arith.constant 1.15470052 : f32
          %mul3A_326 = vector.broadcast %mul3A_325 : f32 to vector<16xf32>
          %mul3A_327 = arith.mulf %get3A_324, %mul3A_326 : vector<16xf32>
          %lt3A_328 = arith.constant 0.000000e+00 : f32
          %lt3A_329 = vector.broadcast %lt3A_328 : f32 to vector<16xf32>
          %lt3A_330 = arith.cmpf olt, %mul3A_327, %lt3A_329 : vector<16xf32>
          %jit3A_331 = arith.constant 0xCB000000 : f32
          %jit3A_332 = arith.constant 0x4B000000 : f32
          %broadcast_in_dim3A_333 = vector.broadcast %jit3A_331 : f32 to vector<16xf32>
          %broadcast_in_dim3A_334 = vector.broadcast %jit3A_332 : f32 to vector<16xf32>
          %select_n3A_335 = arith.select %lt3A_330, %broadcast_in_dim3A_333, %broadcast_in_dim3A_334 : vector<16xi1>, vector<16xf32>
          %add3A_336 = arith.addf %mul3A_327, %select_n3A_335 : vector<16xf32>
          %sub3A_337 = arith.subf %add3A_336, %select_n3A_335 : vector<16xf32>
          %abs3A_338 = math.absf %mul3A_327 : vector<16xf32>
          %ge3A_339 = arith.constant 0x4B000000 : f32
          %ge3A_340 = vector.broadcast %ge3A_339 : f32 to vector<16xf32>
          %ge3A_341 = arith.cmpf oge, %abs3A_338, %ge3A_340 : vector<16xf32>
          %select_n3A_342 = arith.select %ge3A_341, %mul3A_327, %sub3A_337 : vector<16xi1>, vector<16xf32>
          %mul3A_343 = arith.constant 0.866025388 : f32
          %mul3A_344 = vector.broadcast %mul3A_343 : f32 to vector<16xf32>
          %mul3A_345 = arith.mulf %select_n3A_342, %mul3A_344 : vector<16xf32>
          %rem3A_346 = arith.constant 2.000000e+00 : f32
          %rem3A_347 = vector.broadcast %rem3A_346 : f32 to vector<16xf32>
          %rem3A_348 = arith.remf %select_n3A_342, %rem3A_347 : vector<16xf32>
          %ne3A_349 = arith.constant 0.000000e+00 : f32
          %ne3A_350 = vector.broadcast %ne3A_349 : f32 to vector<16xf32>
          %ne3A_351 = arith.cmpf one, %rem3A_348, %ne3A_350 : vector<16xf32>
          %jit3A_352 = arith.constant 5.000000e-01 : f32
          %jit3A_353 = arith.constant 0.000000e+00 : f32
          %broadcast_in_dim3A_354 = vector.broadcast %jit3A_352 : f32 to vector<16xf32>
          %broadcast_in_dim3A_355 = vector.broadcast %jit3A_353 : f32 to vector<16xf32>
          %select_n3A_356 = arith.select %ne3A_351, %broadcast_in_dim3A_354, %broadcast_in_dim3A_355 : vector<16xi1>, vector<16xf32>
          %add3A_357 = arith.addf %get3A_319, %select_n3A_356 : vector<16xf32>
          %lt3A_358 = arith.constant 0.000000e+00 : f32
          %lt3A_359 = vector.broadcast %lt3A_358 : f32 to vector<16xf32>
          %lt3A_360 = arith.cmpf olt, %add3A_357, %lt3A_359 : vector<16xf32>
          %jit3A_361 = arith.constant 0xCB000000 : f32
          %jit3A_362 = arith.constant 0x4B000000 : f32
          %broadcast_in_dim3A_363 = vector.broadcast %jit3A_361 : f32 to vector<16xf32>
          %broadcast_in_dim3A_364 = vector.broadcast %jit3A_362 : f32 to vector<16xf32>
          %select_n3A_365 = arith.select %lt3A_360, %broadcast_in_dim3A_363, %broadcast_in_dim3A_364 : vector<16xi1>, vector<16xf32>
          %add3A_366 = arith.addf %add3A_357, %select_n3A_365 : vector<16xf32>
          %sub3A_367 = arith.subf %add3A_366, %select_n3A_365 : vector<16xf32>
          %abs3A_368 = math.absf %add3A_357 : vector<16xf32>
          %ge3A_369 = arith.constant 0x4B000000 : f32
          %ge3A_370 = vector.broadcast %ge3A_369 : f32 to vector<16xf32>
          %ge3A_371 = arith.cmpf oge, %abs3A_368, %ge3A_370 : vector<16xf32>
          %select_n3A_372 = arith.select %ge3A_371, %add3A_357, %sub3A_367 : vector<16xi1>, vector<16xf32>
          %sub3A_373 = arith.subf %select_n3A_372, %select_n3A_356 : vector<16xf32>
          %swap3A_374 = arith.index_cast %add3A_316 : i32 to index
          %swap3A_375 = tpu.vector_load %arg5[%swap3A_374] {strides = array<i32>} : memref<16384xf32, #tpu.memory_space<vmem>>, vector<16xf32>,
          %swap3A_376 = vector.shape_cast %swap3A_375 : vector<16xf32> to vector<16xf32>
          %swap3A_377 = vector.shape_cast %sub3A_373 : vector<16xf32> to vector<16xf32>
          tpu.vector_store %arg5[%swap3A_374], %swap3A_377 {strides = array<i32>} : memref<16384xf32, #tpu.memory_space<vmem>>, vector<16xf32>,
          %add3A_378 = arith.constant 128 : i32
          %add3A_379 = arith.addi %add3A_316, %add3A_378 : i32
          %swap3A_380 = arith.index_cast %add3A_379 : i32 to index
          %swap3A_381 = tpu.vector_load %arg5[%swap3A_380] {strides = array<i32>} : memref<16384xf32, #tpu.memory_space<vmem>>, vector<16xf32>,
          %swap3A_382 = vector.shape_cast %swap3A_381 : vector<16xf32> to vector<16xf32>
          %swap3A_383 = vector.shape_cast %mul3A_345 : vector<16xf32> to vector<16xf32>
          tpu.vector_store %arg5[%swap3A_380], %swap3A_383 {strides = array<i32>} : memref<16384xf32, #tpu.memory_space<vmem>>, vector<16xf32>,
          %add3A_384 = arith.constant 80 : i32
          %add3A_385 = arith.addi %mul3A_47, %add3A_384 : i32
          %get3A_386 = arith.index_cast %add3A_385 : i32 to index
          %get3A_387 = tpu.vector_load %arg5[%get3A_386] {strides = array<i32>} : memref<16384xf32, #tpu.memory_space<vmem>>, vector<16xf32>,
          %get3A_388 = vector.shape_cast %get3A_387 : vector<16xf32> to vector<16xf32>
          %add3A_389 = arith.constant 128 : i32
          %add3A_390 = arith.addi %add3A_385, %add3A_389 : i32
          %get3A_391 = arith.index_cast %add3A_390 : i32 to index
          %get3A_392 = tpu.vector_load %arg5[%get3A_391] {strides = array<i32>} : memref<16384xf32, #tpu.memory_space<vmem>>, vector<16xf32>,
          %get3A_393 = vector.shape_cast %get3A_392 : vector<16xf32> to vector<16xf32>
          %mul3A_394 = arith.constant 1.15470052 : f32
          %mul3A_395 = vector.broadcast %mul3A_394 : f32 to vector<16xf32>
          %mul3A_396 = arith.mulf %get3A_393, %mul3A_395 : vector<16xf32>
          %lt3A_397 = arith.constant 0.000000e+00 : f32
          %lt3A_398 = vector.broadcast %lt3A_397 : f32 to vector<16xf32>
          %lt3A_399 = arith.cmpf olt, %mul3A_396, %lt3A_398 : vector<16xf32>
          %jit3A_400 = arith.constant 0xCB000000 : f32
          %jit3A_401 = arith.constant 0x4B000000 : f32
          %broadcast_in_dim3A_402 = vector.broadcast %jit3A_400 : f32 to vector<16xf32>
          %broadcast_in_dim3A_403 = vector.broadcast %jit3A_401 : f32 to vector<16xf32>
          %select_n3A_404 = arith.select %lt3A_399, %broadcast_in_dim3A_402, %broadcast_in_dim3A_403 : vector<16xi1>, vector<16xf32>
          %add3A_405 = arith.addf %mul3A_396, %select_n3A_404 : vector<16xf32>
          %sub3A_406 = arith.subf %add3A_405, %select_n3A_404 : vector<16xf32>
          %abs3A_407 = math.absf %mul3A_396 : vector<16xf32>
          %ge3A_408 = arith.constant 0x4B000000 : f32
          %ge3A_409 = vector.broadcast %ge3A_408 : f32 to vector<16xf32>
          %ge3A_410 = arith.cmpf oge, %abs3A_407, %ge3A_409 : vector<16xf32>
          %select_n3A_411 = arith.select %ge3A_410, %mul3A_396, %sub3A_406 : vector<16xi1>, vector<16xf32>
          %mul3A_412 = arith.constant 0.866025388 : f32
          %mul3A_413 = vector.broadcast %mul3A_412 : f32 to vector<16xf32>
          %mul3A_414 = arith.mulf %select_n3A_411, %mul3A_413 : vector<16xf32>
          %rem3A_415 = arith.constant 2.000000e+00 : f32
          %rem3A_416 = vector.broadcast %rem3A_415 : f32 to vector<16xf32>
          %rem3A_417 = arith.remf %select_n3A_411, %rem3A_416 : vector<16xf32>
          %ne3A_418 = arith.constant 0.000000e+00 : f32
          %ne3A_419 = vector.broadcast %ne3A_418 : f32 to vector<16xf32>
          %ne3A_420 = arith.cmpf one, %rem3A_417, %ne3A_419 : vector<16xf32>
          %jit3A_421 = arith.constant 5.000000e-01 : f32
          %jit3A_422 = arith.constant 0.000000e+00 : f32
          %broadcast_in_dim3A_423 = vector.broadcast %jit3A_421 : f32 to vector<16xf32>
          %broadcast_in_dim3A_424 = vector.broadcast %jit3A_422 : f32 to vector<16xf32>
          %select_n3A_425 = arith.select %ne3A_420, %broadcast_in_dim3A_423, %broadcast_in_dim3A_424 : vector<16xi1>, vector<16xf32>
          %add3A_426 = arith.addf %get3A_388, %select_n3A_425 : vector<16xf32>
          %lt3A_427 = arith.constant 0.000000e+00 : f32
          %lt3A_428 = vector.broadcast %lt3A_427 : f32 to vector<16xf32>
          %lt3A_429 = arith.cmpf olt, %add3A_426, %lt3A_428 : vector<16xf32>
          %jit3A_430 = arith.constant 0xCB000000 : f32
          %jit3A_431 = arith.constant 0x4B000000 : f32
          %broadcast_in_dim3A_432 = vector.broadcast %jit3A_430 : f32 to vector<16xf32>
          %broadcast_in_dim3A_433 = vector.broadcast %jit3A_431 : f32 to vector<16xf32>
          %select_n3A_434 = arith.select %lt3A_429, %broadcast_in_dim3A_432, %broadcast_in_dim3A_433 : vector<16xi1>, vector<16xf32>
          %add3A_435 = arith.addf %add3A_426, %select_n3A_434 : vector<16xf32>
          %sub3A_436 = arith.subf %add3A_435, %select_n3A_434 : vector<16xf32>
          %abs3A_437 = math.absf %add3A_426 : vector<16xf32>
          %ge3A_438 = arith.constant 0x4B000000 : f32
          %ge3A_439 = vector.broadcast %ge3A_438 : f32 to vector<16xf32>
          %ge3A_440 = arith.cmpf oge, %abs3A_437, %ge3A_439 : vector<16xf32>
          %select_n3A_441 = arith.select %ge3A_440, %add3A_426, %sub3A_436 : vector<16xi1>, vector<16xf32>
          %sub3A_442 = arith.subf %select_n3A_441, %select_n3A_425 : vector<16xf32>
          %swap3A_443 = arith.index_cast %add3A_385 : i32 to index
          %swap3A_444 = tpu.vector_load %arg5[%swap3A_443] {strides = array<i32>} : memref<16384xf32, #tpu.memory_space<vmem>>, vector<16xf32>,
          %swap3A_445 = vector.shape_cast %swap3A_444 : vector<16xf32> to vector<16xf32>
          %swap3A_446 = vector.shape_cast %sub3A_442 : vector<16xf32> to vector<16xf32>
          tpu.vector_store %arg5[%swap3A_443], %swap3A_446 {strides = array<i32>} : memref<16384xf32, #tpu.memory_space<vmem>>, vector<16xf32>,
          %add3A_447 = arith.constant 128 : i32
          %add3A_448 = arith.addi %add3A_385, %add3A_447 : i32
          %swap3A_449 = arith.index_cast %add3A_448 : i32 to index
          %swap3A_450 = tpu.vector_load %arg5[%swap3A_449] {strides = array<i32>} : memref<16384xf32, #tpu.memory_space<vmem>>, vector<16xf32>,
          %swap3A_451 = vector.shape_cast %swap3A_450 : vector<16xf32> to vector<16xf32>
          %swap3A_452 = vector.shape_cast %mul3A_414 : vector<16xf32> to vector<16xf32>
          tpu.vector_store %arg5[%swap3A_449], %swap3A_452 {strides = array<i32>} : memref<16384xf32, #tpu.memory_space<vmem>>, vector<16xf32>,
          %add3A_453 = arith.constant 96 : i32
          %add3A_454 = arith.addi %mul3A_47, %add3A_453 : i32
          %get3A_455 = arith.index_cast %add3A_454 : i32 to index
          %get3A_456 = tpu.vector_load %arg5[%get3A_455] {strides = array<i32>} : memref<16384xf32, #tpu.memory_space<vmem>>, vector<16xf32>,
          %get3A_457 = vector.shape_cast %get3A_456 : vector<16xf32> to vector<16xf32>
          %add3A_458 = arith.constant 128 : i32
          %add3A_459 = arith.addi %add3A_454, %add3A_458 : i32
          %get3A_460 = arith.index_cast %add3A_459 : i32 to index
          %get3A_461 = tpu.vector_load %arg5[%get3A_460] {strides = array<i32>} : memref<16384xf32, #tpu.memory_space<vmem>>, vector<16xf32>,
          %get3A_462 = vector.shape_cast %get3A_461 : vector<16xf32> to vector<16xf32>
          %mul3A_463 = arith.constant 1.15470052 : f32
          %mul3A_464 = vector.broadcast %mul3A_463 : f32 to vector<16xf32>
          %mul3A_465 = arith.mulf %get3A_462, %mul3A_464 : vector<16xf32>
          %lt3A_466 = arith.constant 0.000000e+00 : f32
          %lt3A_467 = vector.broadcast %lt3A_466 : f32 to vector<16xf32>
          %lt3A_468 = arith.cmpf olt, %mul3A_465, %lt3A_467 : vector<16xf32>
          %jit3A_469 = arith.constant 0xCB000000 : f32
          %jit3A_470 = arith.constant 0x4B000000 : f32
          %broadcast_in_dim3A_471 = vector.broadcast %jit3A_469 : f32 to vector<16xf32>
          %broadcast_in_dim3A_472 = vector.broadcast %jit3A_470 : f32 to vector<16xf32>
          %select_n3A_473 = arith.select %lt3A_468, %broadcast_in_dim3A_471, %broadcast_in_dim3A_472 : vector<16xi1>, vector<16xf32>
          %add3A_474 = arith.addf %mul3A_465, %select_n3A_473 : vector<16xf32>
          %sub3A_475 = arith.subf %add3A_474, %select_n3A_473 : vector<16xf32>
          %abs3A_476 = math.absf %mul3A_465 : vector<16xf32>
          %ge3A_477 = arith.constant 0x4B000000 : f32
          %ge3A_478 = vector.broadcast %ge3A_477 : f32 to vector<16xf32>
          %ge3A_479 = arith.cmpf oge, %abs3A_476, %ge3A_478 : vector<16xf32>
          %select_n3A_480 = arith.select %ge3A_479, %mul3A_465, %sub3A_475 : vector<16xi1>, vector<16xf32>
          %mul3A_481 = arith.constant 0.866025388 : f32
          %mul3A_482 = vector.broadcast %mul3A_481 : f32 to vector<16xf32>
          %mul3A_483 = arith.mulf %select_n3A_480, %mul3A_482 : vector<16xf32>
          %rem3A_484 = arith.constant 2.000000e+00 : f32
          %rem3A_485 = vector.broadcast %rem3A_484 : f32 to vector<16xf32>
          %rem3A_486 = arith.remf %select_n3A_480, %rem3A_485 : vector<16xf32>
          %ne3A_487 = arith.constant 0.000000e+00 : f32
          %ne3A_488 = vector.broadcast %ne3A_487 : f32 to vector<16xf32>
          %ne3A_489 = arith.cmpf one, %rem3A_486, %ne3A_488 : vector<16xf32>
          %jit3A_490 = arith.constant 5.000000e-01 : f32
          %jit3A_491 = arith.constant 0.000000e+00 : f32
          %broadcast_in_dim3A_492 = vector.broadcast %jit3A_490 : f32 to vector<16xf32>
          %broadcast_in_dim3A_493 = vector.broadcast %jit3A_491 : f32 to vector<16xf32>
          %select_n3A_494 = arith.select %ne3A_489, %broadcast_in_dim3A_492, %broadcast_in_dim3A_493 : vector<16xi1>, vector<16xf32>
          %add3A_495 = arith.addf %get3A_457, %select_n3A_494 : vector<16xf32>
          %lt3A_496 = arith.constant 0.000000e+00 : f32
          %lt3A_497 = vector.broadcast %lt3A_496 : f32 to vector<16xf32>
          %lt3A_498 = arith.cmpf olt, %add3A_495, %lt3A_497 : vector<16xf32>
          %jit3A_499 = arith.constant 0xCB000000 : f32
          %jit3A_500 = arith.constant 0x4B000000 : f32
          %broadcast_in_dim3A_501 = vector.broadcast %jit3A_499 : f32 to vector<16xf32>
          %broadcast_in_dim3A_502 = vector.broadcast %jit3A_500 : f32 to vector<16xf32>
          %select_n3A_503 = arith.select %lt3A_498, %broadcast_in_dim3A_501, %broadcast_in_dim3A_502 : vector<16xi1>, vector<16xf32>
          %add3A_504 = arith.addf %add3A_495, %select_n3A_503 : vector<16xf32>
          %sub3A_505 = arith.subf %add3A_504, %select_n3A_503 : vector<16xf32>
          %abs3A_506 = math.absf %add3A_495 : vector<16xf32>
          %ge3A_507 = arith.constant 0x4B000000 : f32
          %ge3A_508 = vector.broadcast %ge3A_507 : f32 to vector<16xf32>
          %ge3A_509 = arith.cmpf oge, %abs3A_506, %ge3A_508 : vector<16xf32>
          %select_n3A_510 = arith.select %ge3A_509, %add3A_495, %sub3A_505 : vector<16xi1>, vector<16xf32>
          %sub3A_511 = arith.subf %select_n3A_510, %select_n3A_494 : vector<16xf32>
          %swap3A_512 = arith.index_cast %add3A_454 : i32 to index
          %swap3A_513 = tpu.vector_load %arg5[%swap3A_512] {strides = array<i32>} : memref<16384xf32, #tpu.memory_space<vmem>>, vector<16xf32>,
          %swap3A_514 = vector.shape_cast %swap3A_513 : vector<16xf32> to vector<16xf32>
          %swap3A_515 = vector.shape_cast %sub3A_511 : vector<16xf32> to vector<16xf32>
          tpu.vector_store %arg5[%swap3A_512], %swap3A_515 {strides = array<i32>} : memref<16384xf32, #tpu.memory_space<vmem>>, vector<16xf32>,
          %add3A_516 = arith.constant 128 : i32
          %add3A_517 = arith.addi %add3A_454, %add3A_516 : i32
          %swap3A_518 = arith.index_cast %add3A_517 : i32 to index
          %swap3A_519 = tpu.vector_load %arg5[%swap3A_518] {strides = array<i32>} : memref<16384xf32, #tpu.memory_space<vmem>>, vector<16xf32>,
          %swap3A_520 = vector.shape_cast %swap3A_519 : vector<16xf32> to vector<16xf32>
          %swap3A_521 = vector.shape_cast %mul3A_483 : vector<16xf32> to vector<16xf32>
          tpu.vector_store %arg5[%swap3A_518], %swap3A_521 {strides = array<i32>} : memref<16384xf32, #tpu.memory_space<vmem>>, vector<16xf32>,
          %add3A_522 = arith.constant 112 : i32
          %add3A_523 = arith.addi %mul3A_47, %add3A_522 : i32
          %get3A_524 = arith.index_cast %add3A_523 : i32 to index
          %get3A_525 = tpu.vector_load %arg5[%get3A_524] {strides = array<i32>} : memref<16384xf32, #tpu.memory_space<vmem>>, vector<16xf32>,
          %get3A_526 = vector.shape_cast %get3A_525 : vector<16xf32> to vector<16xf32>
          %add3A_527 = arith.constant 128 : i32
          %add3A_528 = arith.addi %add3A_523, %add3A_527 : i32
          %get3A_529 = arith.index_cast %add3A_528 : i32 to index
          %get3A_530 = tpu.vector_load %arg5[%get3A_529] {strides = array<i32>} : memref<16384xf32, #tpu.memory_space<vmem>>, vector<16xf32>,
          %get3A_531 = vector.shape_cast %get3A_530 : vector<16xf32> to vector<16xf32>
          %mul3A_532 = arith.constant 1.15470052 : f32
          %mul3A_533 = vector.broadcast %mul3A_532 : f32 to vector<16xf32>
          %mul3A_534 = arith.mulf %get3A_531, %mul3A_533 : vector<16xf32>
          %lt3A_535 = arith.constant 0.000000e+00 : f32
          %lt3A_536 = vector.broadcast %lt3A_535 : f32 to vector<16xf32>
          %lt3A_537 = arith.cmpf olt, %mul3A_534, %lt3A_536 : vector<16xf32>
          %jit3A_538 = arith.constant 0xCB000000 : f32
          %jit3A_539 = arith.constant 0x4B000000 : f32
          %broadcast_in_dim3A_540 = vector.broadcast %jit3A_538 : f32 to vector<16xf32>
          %broadcast_in_dim3A_541 = vector.broadcast %jit3A_539 : f32 to vector<16xf32>
          %select_n3A_542 = arith.select %lt3A_537, %broadcast_in_dim3A_540, %broadcast_in_dim3A_541 : vector<16xi1>, vector<16xf32>
          %add3A_543 = arith.addf %mul3A_534, %select_n3A_542 : vector<16xf32>
          %sub3A_544 = arith.subf %add3A_543, %select_n3A_542 : vector<16xf32>
          %abs3A_545 = math.absf %mul3A_534 : vector<16xf32>
          %ge3A_546 = arith.constant 0x4B000000 : f32
          %ge3A_547 = vector.broadcast %ge3A_546 : f32 to vector<16xf32>
          %ge3A_548 = arith.cmpf oge, %abs3A_545, %ge3A_547 : vector<16xf32>
          %select_n3A_549 = arith.select %ge3A_548, %mul3A_534, %sub3A_544 : vector<16xi1>, vector<16xf32>
          %mul3A_550 = arith.constant 0.866025388 : f32
          %mul3A_551 = vector.broadcast %mul3A_550 : f32 to vector<16xf32>
          %mul3A_552 = arith.mulf %select_n3A_549, %mul3A_551 : vector<16xf32>
          %rem3A_553 = arith.constant 2.000000e+00 : f32
          %rem3A_554 = vector.broadcast %rem3A_553 : f32 to vector<16xf32>
          %rem3A_555 = arith.remf %select_n3A_549, %rem3A_554 : vector<16xf32>
          %ne3A_556 = arith.constant 0.000000e+00 : f32
          %ne3A_557 = vector.broadcast %ne3A_556 : f32 to vector<16xf32>
          %ne3A_558 = arith.cmpf one, %rem3A_555, %ne3A_557 : vector<16xf32>
          %jit3A_559 = arith.constant 5.000000e-01 : f32
          %jit3A_560 = arith.constant 0.000000e+00 : f32
          %broadcast_in_dim3A_561 = vector.broadcast %jit3A_559 : f32 to vector<16xf32>
          %broadcast_in_dim3A_562 = vector.broadcast %jit3A_560 : f32 to vector<16xf32>
          %select_n3A_563 = arith.select %ne3A_558, %broadcast_in_dim3A_561, %broadcast_in_dim3A_562 : vector<16xi1>, vector<16xf32>
          %add3A_564 = arith.addf %get3A_526, %select_n3A_563 : vector<16xf32>
          %lt3A_565 = arith.constant 0.000000e+00 : f32
          %lt3A_566 = vector.broadcast %lt3A_565 : f32 to vector<16xf32>
          %lt3A_567 = arith.cmpf olt, %add3A_564, %lt3A_566 : vector<16xf32>
          %jit3A_568 = arith.constant 0xCB000000 : f32
          %jit3A_569 = arith.constant 0x4B000000 : f32
          %broadcast_in_dim3A_570 = vector.broadcast %jit3A_568 : f32 to vector<16xf32>
          %broadcast_in_dim3A_571 = vector.broadcast %jit3A_569 : f32 to vector<16xf32>
          %select_n3A_572 = arith.select %lt3A_567, %broadcast_in_dim3A_570, %broadcast_in_dim3A_571 : vector<16xi1>, vector<16xf32>
          %add3A_573 = arith.addf %add3A_564, %select_n3A_572 : vector<16xf32>
          %sub3A_574 = arith.subf %add3A_573, %select_n3A_572 : vector<16xf32>
          %abs3A_575 = math.absf %add3A_564 : vector<16xf32>
          %ge3A_576 = arith.constant 0x4B000000 : f32
          %ge3A_577 = vector.broadcast %ge3A_576 : f32 to vector<16xf32>
          %ge3A_578 = arith.cmpf oge, %abs3A_575, %ge3A_577 : vector<16xf32>
          %select_n3A_579 = arith.select %ge3A_578, %add3A_564, %sub3A_574 : vector<16xi1>, vector<16xf32>
          %sub3A_580 = arith.subf %select_n3A_579, %select_n3A_563 : vector<16xf32>
          %swap3A_581 = arith.index_cast %add3A_523 : i32 to index
          %swap3A_582 = tpu.vector_load %arg5[%swap3A_581] {strides = array<i32>} : memref<16384xf32, #tpu.memory_space<vmem>>, vector<16xf32>,
          %swap3A_583 = vector.shape_cast %swap3A_582 : vector<16xf32> to vector<16xf32>
          %swap3A_584 = vector.shape_cast %sub3A_580 : vector<16xf32> to vector<16xf32>
          tpu.vector_store %arg5[%swap3A_581], %swap3A_584 {strides = array<i32>} : memref<16384xf32, #tpu.memory_space<vmem>>, vector<16xf32>,
          %add3A_585 = arith.constant 128 : i32
          %add3A_586 = arith.addi %add3A_523, %add3A_585 : i32
          %swap3A_587 = arith.index_cast %add3A_586 : i32 to index
          %swap3A_588 = tpu.vector_load %arg5[%swap3A_587] {strides = array<i32>} : memref<16384xf32, #tpu.memory_space<vmem>>, vector<16xf32>,
          %swap3A_589 = vector.shape_cast %swap3A_588 : vector<16xf32> to vector<16xf32>
          %swap3A_590 = vector.shape_cast %mul3A_552 : vector<16xf32> to vector<16xf32>
          tpu.vector_store %arg5[%swap3A_587], %swap3A_590 {strides = array<i32>} : memref<16384xf32, #tpu.memory_space<vmem>>, vector<16xf32>,
          %scan3A_591 = arith.constant 0 : i32
          scf.yield %scan3A_591 : i32
        }
        %scan3A_38 = arith.constant 64 : i32
        %mul3A_39 = arith.constant 16384 : i32
        %mul3A_40 = arith.muli %scan3A_13, %mul3A_39 : i32
        %add3A_41 = arith.addi %mul3A_2, %mul3A_40 : i32
        %dma_start3A_42 = tpu.memref_slice %arg3[%add3A_41] : memref<8388608xf32, #tpu.memory_space<hbm>> -> memref<16384xf32, #tpu.memory_space<hbm>>
        %dma_start3A_43 = tpu.memref_slice %arg3[%add3A_41] : memref<8388608xf32, #tpu.memory_space<hbm>> -> memref<16384xf32, #tpu.memory_space<hbm>>
        tpu.enqueue_dma source(%arg5 : memref<16384xf32, #tpu.memory_space<vmem>>) target(%dma_start3A_43 : memref<16384xf32, #tpu.memory_space<hbm>>) target_semaphore(%arg9 : memref<!tpu.dma_semaphore, #tpu.memory_space<semaphore_mem>>)
      } else {
      }
      %scan3A_23 = arith.constant 0 : i32
      scf.yield %scan3A_23 : i32
    }
    %scan3A_9 = arith.constant 16 : i32
    %dma_wait3A = tpu.memref_slice %arg3[%mul3A_2] : memref<8388608xf32, #tpu.memory_space<hbm>> -> memref<16384xf32, #tpu.memory_space<hbm>>
    %dma_wait3A_10 = tpu.memref_slice %arg3[%mul3A_2] : memref<8388608xf32, #tpu.memory_space<hbm>> -> memref<16384xf32, #tpu.memory_space<hbm>>
    tpu.wait_dma2 semaphore(%arg8 : memref<!tpu.dma_semaphore, #tpu.memory_space<semaphore_mem>>) src(%arg4 : memref<16384xf32, #tpu.memory_space<vmem>>) dst(%dma_wait3A_10 : memref<16384xf32, #tpu.memory_space<hbm>>)
    %dma_wait3A_11 = tpu.memref_slice %arg3[%mul3A_2] : memref<8388608xf32, #tpu.memory_space<hbm>> -> memref<16384xf32, #tpu.memory_space<hbm>>
    %dma_wait3A_12 = tpu.memref_slice %arg3[%mul3A_2] : memref<8388608xf32, #tpu.memory_space<hbm>> -> memref<16384xf32, #tpu.memory_space<hbm>>
    tpu.wait_dma2 semaphore(%arg9 : memref<!tpu.dma_semaphore, #tpu.memory_space<semaphore_mem>>) src(%arg5 : memref<16384xf32, #tpu.memory_space<vmem>>) dst(%dma_wait3A_12 : memref<16384xf32, #tpu.memory_space<hbm>>)
    return
  }
}

</mosaic_0001>

<sc_bundles>
// kernel: kernel.3.cloned.1.call-start
scs
__scs_entry_jumppad:
0x0: {  	(pc) =	sbr.rel $0x88, $3  }
0x1: {  	(tag) =	ssettag $0x0;
	lr =	simm.s32 $0x1  }
0x2: {  	[smem:$0x3FA0] =	sst lr;
	_ =	strace $0xD0000000  }
0x3: {  	_ = 	snop  }
0x4: {  	_ = 	snop  }
0x5: {  	_ = 	snop  }
0x6: {  	_ = 	snop  }
0x7: {  	_ = 	snop  }
__scs_overlays_trampoline_lowered:
0x8: {  	[smem:$0x3FAF] =	sst s0  }
0x9: {  	[smem:$0x3FB0] =	sst s1  }
0xa: {  	[smem:$0x3FB1] =	sst s2  }
0xb: {  	[smem:$0x3FB2] =	sst s3  }
0xc: {  	[smem:$0x3FB3] =	sst s4  }
0xd: {  	[smem:$0x3FB4] =	sst s5  }
0xe: {  	[smem:$0x3FB5] =	sst s6  }
0xf: {  	[smem:$0x3FB6] =	sst s7  }
0x10: {  	[smem:$0x3FB7] =	sst s8  }
0x11: {  	[smem:$0x3FB8] =	sst s9;
	s0 =	simm.s32 @!p0 $0x0  }
0x12: {  	s1 =	sld [smem:$0x3F9E];
	s0 =	simm.s32 @p0 $0x1  }
0x13: {  	[smem:$0x3FB9] =	sst s0;
	s0 =	simm.s32 @!p1 $0x0  }
0x14: {  	s2 =	sld [smem:$0x3F9D];
	s0 =	simm.s32 @p1 $0x1  }
0x15: {  	[smem:$0x3FBA] =	sst s0;
	s0 =	simm.s32 @!p2 $0x0  }
0x16: {  	s3 =	sld [smem:$0x3FDB];
	s0 =	simm.s32 @p2 $0x1  }
0x17: {  	s4 =	simm.s32 $0x1BF5;
	[smem:$0x3FBC] =	sst s0  }
0x18: {  	s0 =	sld [smem:$0x3F9F];
	_ =	swait.ge [sflag:s4], $0x0  }
0x19: {  	s7 =	sld [smem:$0x3FA0]  }
0x1a: {  	s8 =	sadd.s32 $0xFFFFE003, lr  }
0x1b: {  	s9 =	sadd.s32 $0xFFFFFEF7, lr;
	s5 =	simm.s32 $0xFFFFFFFF;
	p2 =	slt.u32 s8, $0xFFFFF086  }
0x1c: {  	p1 =	slt.u32 s9, $0xF7A;
	s5 =	simm.s32 @!p2 $0x0  }
0x1d: {  	s5 =	simm.s32 @p1 $0x1;
	p0 =	seq.s32 s7, s2  }
0x1e: {  	s7 =	smul.u32 @!p0 $0xF7A, s2;
	p2 =	seq.s32 @!p0 s5, $0x0  }
0x1f: {  	s9 =	smul.u32 $0xF7A, s1;
	s8 =	simm.s32 @!p0 $0x1BF5;
	p2 =	por !p2, p0  }
0x20: {  	[sflag:s8] =	ssyncset.s32 @!p0 $0xFFFFF086;
	s6 =	sadd.s32 @!p0 s3, s7;
	s7 =	simm.s32 @!p0 $0x108  }
0x21: {  	s3 =	sadd.s32 s3, s9;
	s6 =	sadd.s32 @!p0 $0x88, s6;
	s7 =	simm.s32 @p2 $0x1082  }
0x22: {  	[simem:s7], [sflag:s8] =	dma.local @!p0 [hbm:s6], $0xF7A  }
0x23: {  	s9 =	sor.u32 $0xD0000000, s2;
	s6 =	simm.s32 $0x108;
	_ =	swait.ge @!p0 [sflag:s8], $0x0  }
0x24: {  	s3 =	sadd.s32 $0x88, s3;
	s6 =	simm.s32 @!p1 $0x1082;
	[sflag:s4] =	ssyncset.s32 $0xFFFFF086  }
0x25: {  	[simem:s6], [sflag:s4] =	dma.local [hbm:s3], $0xF7A  }
0x26: {  	[smem:$0x3FA0] =	sst s1;
	(tag) =	ssettag s2;
	_ =	strace s9  }
0x27: {  	s1 =	sld [smem:$0x3FB0]  }
0x28: {  	s2 =	sld [smem:$0x3FB1]  }
0x29: {  	s4 =	sld [smem:$0x3FB3]  }
0x2a: {  	p0 =	seq.s32 s5, $0x0;
	s5 =	sld [smem:$0x3FB4]  }
0x2b: {  	s6 =	sld [smem:$0x3FB5]  }
0x2c: {  	s7 =	sld [smem:$0x3FB6]  }
0x2d: {  	s3 =	simm.s32 $0x108;
	s8 =	sld [smem:$0x3FB7]  }
0x2e: {  	s3 =	simm.s32 @!p0 $0x1082;
	s9 =	sld [smem:$0x3FB8]  }
0x2f: {  	lr =	sadd.s32 s0, s3;
	s0 =	sld [smem:$0x3FAF]  }
0x30: {  	s3 =	sld [smem:$0x3FB2]  }
0x31: {  	[smem:$0x3FBB] =	sst s10  }
0x32: {  	s10 =	sld [smem:$0x3FB9];
	_ =	sdelay $0x3  }
0x33: {  	p0 =	seq.s32 s10, $0x1;
	s10 =	sld [smem:$0x3FBB];
	_ =	sdelay $0x3  }
0x34: {  	[smem:$0x3FBB] =	sst s10  }
0x35: {  	s10 =	sld [smem:$0x3FBA];
	_ =	sdelay $0x3  }
0x36: {  	p1 =	seq.s32 s10, $0x1;
	s10 =	sld [smem:$0x3FBB];
	_ =	sdelay $0x3  }
0x37: {  	[smem:$0x3FBB] =	sst s10  }
0x38: {  	s10 =	sld [smem:$0x3FBC]  }
0x39: {  	_ = 	snop;
	(pc) =	sbr.ind lr, $3  }
0x3a: {  	_ = 	snop  }
0x3b: {  	_ = 	snop  }
0x3c: {  	p2 =	seq.s32 s10, $0x1;
	s10 =	sld [smem:$0x3FBB]  }
0x3d: {  	_ =	shalt  }
0x3e: {  	_ =	shalt  }
0x3f: {  	_ =	shalt  }
0x40: {  	_ =	shalt  }
0x41: {  	_ =	shalt  }
0x42: {  	_ =	shalt  }
0x43: {  	_ =	shalt  }
0x44: {  	_ =	shalt  }
0x45: {  	_ =	shalt  }
0x46: {  	_ =	shalt  }
0x47: {  	_ =	shalt  }
0x48: {  	_ =	shalt  }
0x49: {  	_ =	shalt  }
0x4a: {  	_ =	shalt  }
0x4b: {  	_ =	shalt  }
0x4c: {  	_ =	shalt  }
0x4d: {  	_ =	shalt  }
0x4e: {  	_ =	shalt  }
0x4f: {  	_ =	shalt  }
0x50: {  	_ =	shalt  }
0x51: {  	_ =	shalt  }
0x52: {  	_ =	shalt  }
0x53: {  	_ =	shalt  }
0x54: {  	_ =	shalt  }
0x55: {  	_ =	shalt  }
0x56: {  	_ =	shalt  }
0x57: {  	_ =	shalt  }
0x58: {  	_ =	shalt  }
0x59: {  	_ =	shalt  }
0x5a: {  	_ =	shalt  }
0x5b: {  	_ =	shalt  }
0x5c: {  	_ =	shalt  }
0x5d: {  	_ =	shalt  }
0x5e: {  	_ =	shalt  }
0x5f: {  	_ =	shalt  }
0x60: {  	_ =	shalt  }
0x61: {  	_ =	shalt  }
0x62: {  	_ =	shalt  }
0x63: {  	_ =	shalt  }
0x64: {  	_ =	shalt  }
0x65: {  	_ =	shalt  }
0x66: {  	_ =	shalt  }
0x67: {  	_ =	shalt  }
0x68: {  	_ =	shalt  }
0x69: {  	_ =	shalt  }
0x6a: {  	_ =	shalt  }
0x6b: {  	_ =	shalt  }
0x6c: {  	_ =	shalt  }
0x6d: {  	_ =	shalt  }
0x6e: {  	_ =	shalt  }
0x6f: {  	_ =	shalt  }
0x70: {  	_ =	shalt  }
0x71: {  	_ =	shalt  }
0x72: {  	_ =	shalt  }
0x73: {  	_ =	shalt  }
0x74: {  	_ =	shalt  }
0x75: {  	_ =	shalt  }
0x76: {  	_ =	shalt  }
0x77: {  	_ =	shalt  }
0x78: {  	_ =	shalt  }
0x79: {  	_ =	shalt  }
0x7a: {  	_ =	shalt  }
0x7b: {  	_ =	shalt  }
0x7c: {  	_ =	shalt  }
0x7d: {  	_ =	shalt  }
0x7e: {  	_ =	shalt  }
0x7f: {  	_ =	shalt  }
0x80: {  	_ =	shalt  }
0x81: {  	_ =	shalt  }
0x82: {  	_ =	shalt  }
0x83: {  	_ =	shalt  }
0x84: {  	_ =	shalt  }
0x85: {  	_ =	shalt  }
0x86: {  	_ =	shalt  }
0x87: {  	_ =	shalt  }
.Lfunc_end0:
.L_simem_size_0:
called_computation_lowered:
.L_overlay_start_0:
0x88: {  	s2 =	sld [smem:$0x3FD9]  }
0x89: {  	s3 =	sld [smem:$0x3FFE];
	_ =	sdelay $0x1  }
0x8a: {  	s1 =	srdreg.scid  }
0x8b: {  	s0 =	sand.u32 $0x1, s1  }
0x8c: {  	s18 =	sshll.u32 s0, $0xA;
	s2 =	sadd.s32 s3, s2  }
0x8d: {  	s2 =	sadd.s32 s2, s18  }
0x8e: {  	[smem:$0x3FC7] =	sst s2  }
0x8f: {  	_ = 	snop  }
0x90: {  	s2 =	sld [smem:$0x3FC9]  }
0x91: {  	s19 =	sld [smem:$0x3FD0];
	(tm) =	ssettm $0x1  }
0x92: {  	s4 =	sld [smem:$0x3FFB];
	_ =	sdelay $0x3  }
0x93: {  	_ =	strace s4  }
0x94: {  	s4 =	sld [smem:$0x3FFC];
	_ =	sdelay $0x3  }
0x95: {  	_ =	strace s4  }
0x96: {  	s4 =	sld [smem:$0x3FFD];
	_ =	sdelay $0x3  }
0x97: {  	_ =	strace s4  }
0x98: {  	_ =	strace $0x8FFFFFFF  }
0x99: {  	s20 =	sld [smem:$0x3FDB];
	_ =	sdelay $0x1  }
0x9a: {  	s5 =	simm.s32 $_scs_section_size  }
0x9b: {  	s6 =	simm.s32 $_size__tile_overlayer_lowered;
	s7 =	simm.s32 $_tile_overlayer_lowered  }
0x9c: {  	s23 =	simm.s32 $0x1BFF;
	s22 =	sshll.u32 s7, $0x1;
	s4 =	sadd.s32 s5, s20  }
0x9d: {  	s8 =	simm.s32 $0x0;
	s21 =	sshll.u32 s6, $0x1;
	s6 =	sadd.s32 s22, s4  }
0x9e: {  	[timem:s8], [sflag:s23] =	dma.local [hbm:s6], s21  }
0x9f: {  	_ =	swait.ge [sflag:s23], s21  }
0xa0: {  	s5 =	ssub.s32 $0x0, s21;
	[sflag:s23] =	ssyncset.done $0x0  }
0xa1: {  	[sflag:s23] =	ssyncadd.s32 s5;
	_ =	sdelay $0x1  }
0xa2: {  	s24 =	simm.s32 $0x1B8B  }
0xa3: {  	_ =	swait.ge [sflag:s24], $0x1  }
0xa4: {  	[sflag:s24] =	ssyncset.done $0x0  }
0xa5: {  	s25 =	simm.s32 $0x1B8E;
	[sflag:s24] =	ssyncadd.s32 $0xFFFFFFFF  }
0xa6: {  	s26 =	simm.s32 $execute0_lowered;
	[smem:$0x3FD2] =	sst s25  }
0xa7: {  	s5 =	sshll.u32 s26, $0x1;
	_ =	strace $0x80000046;
	[dreg:$0x1] =	wrdreg $0xFFFFFFFF  }
0xa8: {  	s28 =	simm.s32 $_size_execute0_lowered;
	s4 =	sadd.s32 s4, s5;
	[dreg:$0x0] =	wrdreg $0x0  }
0xa9: {  	s5 =	sshll.u32 s28, $0x1;
	[dreg:$0x2] =	wrdreg s4  }
0xaa: {  	[dreg:$0x3] =	wrdreg s5  }
0xab: {  	[dreg:$0x4] =	wrdreg $0xC0  }
0xac: {  	_ =	task [dreg:s8], $0x5FFFF  }
0xad: {  	[dreg:$0x1] =	wrdreg $0xFFFFFFFF  }
0xae: {  	[dreg:$0x0] =	wrdreg $0x60  }
0xaf: {  	[dreg:$0x2] =	wrdreg s2  }
0xb0: {  	[dreg:$0x3] =	wrdreg s19  }
0xb1: {  	[dreg:$0x4] =	wrdreg $0x9  }
0xb2: {  	_ =	task.clear_ibuf [dreg:s8], $0x5FFFF;
	_ =	strace $0x90000046  }
0xb3: {  	s29 =	simm.s32 $0x9;
	_ =	strace $0x80000048  }
0xb4: {  	_ =	swait.ge [sflag:s29], $0x1  }
0xb5: {  	[sflag:s29] =	ssyncadd.s32 $0xFFFFFFFF  }
0xb6: {  	_ =	strace $0x90000048  }
0xb7: {  	_ =	sfence  }
0xb8: {  	s30 =	sld [smem:$0x0];
	_ =	sdelay $0x2  }
0xb9: {  	s31 =	sshll.u32 s1, $0xD;
	s1 =	sshrl.u32 s1, $0x2  }
0xba: {  	s3 =	sand.u32 $0x4000, s31;
	s1 =	sadd.s32 s1, s30  }
0xbb: {  	s0 =	sor.u32 s3, s0;
	s1 =	sshll.u32 s1, $0x11  }
0xbc: {  	s0 =	sor.u32 s1, s0  }
0xbd: {  	s0 =	sadd.s32 $0x8F2B, s0  }
0xbe: {  	[sflag:s0] =	ssyncadd.remote.s32 $0x1  }
0xbf: {  	_ =	sfence.sel $0xFFFF  }
0xc0: {  	[dreg:$0x0] =	wrdreg $0xFFFFFFFF;
	(pc) =	sbr.abs _section_cstart, $3  }
0xc1: {  	[dreg:$0x1] =	wrdreg $0xFFFFFFFF  }
0xc2: {  	_ =	task.clear_ibuf [dreg:s8], $0x2FFFF;
	_ =	strace $0x9FFFFFFF  }
0xc3: {  	(tm) =	ssettm $0x7FFFFFFF  }
tec
execute0_lowered:
.L_overlay_start_1:
0x0: {  	(tag) =	ssettag $0x1  }
0x1: {  	s1 =	rddreg [dreg:$0x0]  }
0x2: {  	s2 =	rddreg [dreg:$0x1];
	s3 =	simm.s32 $0x0  }
0x3: {  	[smem:$0x7FF] =	sst s3  }
0x4: {  	s0 =	rddreg [dreg:$0x2];
	v0 =	vimm.f32 $2.000000000e+00;
	_ =	strace $0x80000047  }
0x5: {  	(erf) = vrcp.f32 v0;
	_ =	sdelay $0x2  }
0x6: {  	s5 =	srdreg.scid;
	s4 =	stileid.u32  }
0x7: {  	s9 =	simm.s32 $0x2;
	s10 =	simm.s32 $0x4000;
	s11 =	simm.s32 $0x3  }
.Ltmp0:
0x8: {  	s12 =	simm.s32 $0x4;
	s5 =	sand.u32 $0x1, s5;
	(pc) =	sbr.rel .LBB2_1-.Ltmp0, $4  }
0x9: {  	s7 =	sshll.u32 s4, $0x13;
	s6 =	ssub.s32 $0x2, s5;
	s5 =	sshll.u32 s5, $0x12  }
0xa: {  	s13 =	simm.s32 $0x1;
	s8 =	sshrl.u32 s6, $0x1;
	s5 =	sor.u32 s5, s7  }
0xb: {  	s14 =	simm.s32 $0x0;
	s8 =	ssub.s32 s6, s8;
	s31 =	sshrl.u32 s5, $0x3  }
0xc: {  	v1 =	vimm.f32 $0.0e+00;
	v2 =	vimm.f32 $8.388608000e+06;
	s7 =	sor.u32 $0x4000, s5;
	s6 =	sadd.s32 s1, s31;
	s8 =	smax.u32 s8, $0x1;
	v0 =	vpop (erf)  }
.LBB2_14:
0xd: {  	s14 =	sadd.s32 $0x1, s14  }
0xe: {  	_ =	swait.ge [sflag:s11], $0x4000;
	p0 =	sne.s32 s14, s8  }
.Ltmp1:
0xf: {  	[sflag:s11] =	ssyncset.done $0x0;
	(pc) =	sbr.rel @!p0 .LBB2_15-.Ltmp1, $4  }
0x10: {  	[sflag:s11] =	ssyncadd.s32 $0xFFFFC000  }
0x11: {  	_ =	swait.ge [sflag:s12], $0x4000  }
0x12: {  	[sflag:s12] =	ssyncset.done $0x0  }
0x13: {  	[sflag:s12] =	ssyncadd.s32 $0xFFFFC000  }
.LBB2_1:
.Ltmp2:
0x14: {  	(pc) =	sbr.rel .LBB2_2-.Ltmp2, $3  }
0x15: {  	_ =	sdelay $0x1  }
0x16: {  	[tilespmem:s3], [sflag:$0x1] =	stream.linear.gather [hbm4b:s6+s3], $0x4000, $0x38;
	[tilespmem:$0x8000] =	vst v63  }
0x17: {  	s15 =	simm.s32 $0x0  }
.LBB2_9:
0x18: {  	v3 =	vmul.f32 $8.660253880e-01, v3  }
0x19: {  	v14 =	vadd.f32 v7, v5;
	v15 =	vadd.f32 v13, v10;
	vm0 =	vlt.f32 v11, $0.0e+00  }
0x1a: {  	v16 =	vand.u32 $0x7FFFFFFF, v5;
	v17 =	vand.u32 $0x7FFFFFFF, v10;
	v18 =	vsel vm0, $0xCB000000, v2  }
0x1b: {  	v19 =	vand.u32 $0x7FFFFFFF, v11;
	v13 =	vsub.f32 v15, v13;
	v59 =	vadd.f32 v18, v11  }
0x1c: {  	v9 =	vsub.f32 v12, v9;
	vm1 =	vge.f32 v17, $8.388608000e+06;
	v7 =	vsub.f32 v14, v7  }
0x1d: {  	vm14 =	vge.f32 v16, $8.388608000e+06;
	v60 =	vsel vm1, v10, v13;
	v61 =	vsub.f32 v59, v18  }
0x1e: {  	vm15 =	vge.f32 v19, $8.388608000e+06;
	[tilespmem:s16+$0xA0] =	vst v3;
	v3 =	vsel vm14, v5, v7;
	v62 =	vsub.f32 v60, v6  }
0x1f: {  	s17 =	sshll.u32 s15, $0xE;
	[tilespmem:s16+$0x30] =	vst v9;
	v3 =	vsub.f32 v3, v4;
	v63 =	vsel vm15, v11, v61  }
0x20: {  	s17 =	sadd.s32 s5, s17;
	[tilespmem:s16+$0x20] =	vst v62;
	v4 =	vsub.f32 v63, v8  }
0x21: {  	s17 =	sshrl.u32 s17, $0x3;
	[tilespmem:s16+$0x50] =	vst v3  }
0x22: {  	s31 =	sadd.s32 s2, s17;
	[tilespmem:s16+$0x40] =	vst v4  }
0x23: {  	[hbm4b:s31+s3] =	stream.linear.scatter [tilespmem:s3], [sflag:$0x3], $0x4000, $0x38;
	[tilespmem:$0x8000] =	vst v63  }
.LBB2_13:
0x24: {  	s15 =	sadd.s32 $0x1, s15  }
0x25: {  	p0 =	sne.s32 s15, $0x10  }
.Ltmp3:
0x26: {  	_ = 	snop;
	(pc) =	sbr.rel @!p0 .LBB2_14-.Ltmp3, $1  }
0x27: {  	_ =	sdelay $0x3  }
.LBB2_2:
0x28: {  	s16 =	sand.u32 $0x1, s15  }
0x29: {  	p0 =	seq.s32 s16, $0x1  }
.Ltmp4:
0x2a: {  	_ = 	snop;
	(pc) =	sbr.rel @!p0 .LBB2_3-.Ltmp4, $1  }
0x2b: {  	_ =	sdelay $0x3  }
0x2c: {  	_ =	swait.ge [sflag:s9], $0x4000  }
0x2d: {  	p0 =	seq.s32 s15, $0xF;
	[sflag:s9] =	ssyncset.done $0x0  }
0x2e: {  	s16 =	simm.s32 @!p0 $0x3;
	s17 =	sshll.u32 @!p0 s15, $0xE;
	[sflag:s9] =	ssyncadd.s32 $0xFFFFC000  }
0x2f: {  	s17 =	sadd.s32 @!p0 s17, s7;
	_ =	swait.ge @!p0 [sflag:s16], $0x4000  }
0x30: {  	s17 =	sshrl.u32 @!p0 s17, $0x3;
	[sflag:s16] =	ssyncset.done @!p0 $0x0  }
0x31: {  	[sflag:s16] =	ssyncadd.s32 @!p0 $0xFFFFC000;
	s16 =	sadd.s32 @!p0 s1, s17;
	s17 =	simm.s32 @!p0 $0x0  }
0x32: {  	[tilespmem:s17], [sflag:$0x1] =	stream.linear.gather @!p0 [hbm4b:s16+s17], $0x4000, $0x38;
	[tilespmem:$0x8000] =	vst v63  }
0x33: {  	s16 =	simm.s32 $0x0  }
0x34: {  	v3 =	vld [tilespmem:s16+$0x40F0]  }
0x35: {  	v4 =	vld [tilespmem:s16+$0x40E0]  }
0x36: {  	v5 =	vld [tilespmem:s16+$0x40C0]  }
0x37: {  	v6 =	vld [tilespmem:s16+$0x4080]  }
0x38: {  	v7 =	vld [tilespmem:s16+$0x4090]  }
0x39: {  	v8 =	vld [tilespmem:s16+$0x40D0]  }
0x3a: {  	v9 =	vld [tilespmem:s16+$0x40B0]  }
0x3b: {  	v10 =	vld [tilespmem:s16+$0x40A0];
	_ =	sdelay $0x1  }
0x3c: {  	v11 =	vmul.f32 $1.154700520e+00, v5;
	v3 =	vmul.f32 $1.154700520e+00, v3  }
0x3d: {  	v12 =	vmul.f32 $1.154700520e+00, v4;
	v6 =	vmul.f32 $1.154700520e+00, v6  }
0x3e: {  	v5 =	vmul.f32 $1.154700520e+00, v7;
	v8 =	vmul.f32 $1.154700520e+00, v8  }
0x3f: {  	v4 =	vmul.f32 $1.154700520e+00, v9;
	v10 =	vmul.f32 $1.154700520e+00, v10;
	vm0 =	vlt.f32 v11, $0.0e+00  }
0x40: {  	v7 =	vand.u32 $0x7FFFFFFF, v11;
	vm1 =	vlt.f32 v12, $0.0e+00;
	vm2 =	vlt.f32 v3, $0.0e+00  }
0x41: {  	v15 =	vand.u32 $0x7FFFFFFF, v3;
	v16 =	vand.u32 $0x7FFFFFFF, v4;
	v18 =	vand.u32 $0x7FFFFFFF, v12  }
0x42: {  	vm3 =	vlt.f32 v4, $0.0e+00;
	vm14 =	vlt.f32 v8, $0.0e+00;
	vm15 =	vlt.f32 v10, $0.0e+00  }
0x43: {  	vm8 =	vlt.f32 v6, $0.0e+00;
	vm10 =	vlt.f32 v5, $0.0e+00;
	v48 =	vand.u32 $0x7FFFFFFF, v5  }
0x44: {  	v9 =	vsel vm1, $0xCB000000, v2;
	v13 =	vsel vm2, $0xCB000000, v2;
	v19 =	vsel vm0, $0xCB000000, v2  }
0x45: {  	vm12 =	vge.f32 v18, $8.388608000e+06;
	vm13 =	vge.f32 v15, $8.388608000e+06;
	vm1 =	vge.f32 v7, $8.388608000e+06  }
0x46: {  	v15 =	vsel vm14, $0xCB000000, v2;
	v37 =	vsel vm8, $0xCB000000, v2;
	v14 =	vadd.f32 v9, v12  }
0x47: {  	v39 =	vsel vm10, $0xCB000000, v2;
	v17 =	vadd.f32 v13, v3;
	v38 =	vadd.f32 v15, v8  }
0x48: {  	vm0 =	vge.f32 v16, $8.388608000e+06;
	v41 =	vadd.f32 v39, v5;
	v44 =	vadd.f32 v19, v11  }
0x49: {  	v9 =	vsub.f32 v14, v9;
	v14 =	vand.u32 $0x7FFFFFFF, v10;
	v13 =	vsub.f32 v17, v13  }
0x4a: {  	v15 =	vsub.f32 v38, v15;
	v19 =	vsub.f32 v44, v19;
	vm9 =	vge.f32 v14, $8.388608000e+06  }
0x4b: {  	v14 =	vand.u32 $0x7FFFFFFF, v8;
	v7 =	vsel vm12, v12, v9;
	v3 =	vsel vm13, v3, v13  }
0x4c: {  	v9 =	vsel vm3, $0xCB000000, v2;
	vm4 =	vge.f32 v14, $8.388608000e+06;
	v13 =	vand.u32 $0x7FFFFFFF, v3  }
0x4d: {  	v14 =	vsel vm15, $0xCB000000, v2;
	v12 =	vand.u32 $0x7FFFFFFF, v7;
	v21 =	vmul.f32 v13, v0  }
0x4e: {  	v11 =	vsel vm1, v11, v19;
	v20 =	vadd.f32 v9, v4;
	v34 =	vmul.f32 v12, v0  }
0x4f: {  	v35 =	vmul.f32 $8.660253880e-01, v3;
	v22 =	vadd.f32 v14, v10;
	v36 =	vfloor.f32 v21  }
0x50: {  	v9 =	vsub.f32 v20, v9;
	v17 =	vfloor.f32 v34;
	v20 =	vadd.f32 v36, v36  }
0x51: {  	v23 =	vand.u32 $0x80000000, v7;
	v3 =	vand.u32 $0x80000000, v3;
	v17 =	vadd.f32 v17, v17  }
0x52: {  	v8 =	vsel vm4, v8, v15;
	v7 =	vmul.f32 $8.660253880e-01, v7;
	v13 =	vsub.f32 v13, v20  }
0x53: {  	v49 =	vmul.f32 $8.660253880e-01, v11;
	v50 =	vand.u32 $0x7FFFFFFF, v11;
	v12 =	vsub.f32 v12, v17  }
0x54: {  	v40 =	vand.u32 $0x7FFFFFFF, v8;
	v14 =	vsub.f32 v22, v14;
	vm11 =	veq.f32 v13, $2.000000000e+00  }
0x55: {  	v24 =	vmul.f32 v40, v0;
	vm5 =	veq.f32 v12, $2.000000000e+00;
	v13 =	vsel vm11, $0x0, v13  }
0x56: {  	v9 =	vsel vm0, v4, v9;
	v12 =	vsel vm5, $0x0, v12;
	v13 =	vand.u32 $0x7FFFFFFF, v13  }
0x57: {  	v55 =	vmul.f32 $8.660253880e-01, v9;
	v12 =	vand.u32 $0x7FFFFFFF, v12;
	v3 =	vor.u32 v3, v13  }
0x58: {  	v15 =	vld [tilespmem:s16+$0x4070];
	v12 =	vor.u32 v23, v12;
	vm12 =	vlt.f32 v3, $0.0e+00;
	vm13 =	vgt.f32 v3, $0.0e+00  }
0x59: {  	v13 =	vld [tilespmem:s16+$0x4060];
	vm14 =	vlt.f32 v12, $0.0e+00;
	vm15 =	vgt.f32 v12, $0.0e+00;
	v12 =	vmul.f32 $8.660253880e-01, v8  }
0x5a: {  	v3 =	vsel vm9, v10, v14;
	v14 =	vadd.f32 v37, v6;
	v8 =	vand.u32 $0x80000000, v8  }
0x5b: {  	vm3 =	vmor vm13, vm12;
	vm4 =	vmor vm15, vm14;
	v45 =	vand.u32 $0x7FFFFFFF, v3  }
0x5c: {  	v52 =	vand.u32 $0x80000000, v3;
	v42 =	vsel vm3, $0x3F000000, v1;
	v43 =	vsel vm4, $0x3F000000, v1  }
0x5d: {  	v47 =	vmul.f32 v45, v0;
	v10 =	vadd.f32 v42, v15;
	v15 =	vfloor.f32 v24  }
0x5e: {  	vm15 =	vge.f32 v48, $8.388608000e+06;
	v13 =	vadd.f32 v43, v13;
	v15 =	vadd.f32 v15, v15  }
0x5f: {  	v14 =	vsub.f32 v14, v37;
	v16 =	vfloor.f32 v47;
	vm8 =	vlt.f32 v10, $0.0e+00  }
0x60: {  	v16 =	vadd.f32 v16, v16;
	vm6 =	vlt.f32 v13, $0.0e+00;
	v15 =	vsub.f32 v40, v15  }
0x61: {  	v54 =	vand.u32 $0x7FFFFFFF, v10;
	v25 =	vand.u32 $0x7FFFFFFF, v13;
	v46 =	vsel vm6, $0xCB000000, v2  }
0x62: {  	v51 =	vsel vm8, $0xCB000000, v2;
	v26 =	vadd.f32 v46, v13;
	vm9 =	veq.f32 v15, $2.000000000e+00  }
0x63: {  	vm7 =	vge.f32 v25, $8.388608000e+06;
	v16 =	vsub.f32 v45, v16;
	v15 =	vsel vm9, $0x0, v15  }
0x64: {  	v53 =	vadd.f32 v51, v10;
	v23 =	vsub.f32 v26, v46;
	v15 =	vand.u32 $0x7FFFFFFF, v15  }
0x65: {  	vm13 =	veq.f32 v16, $2.000000000e+00;
	v8 =	vor.u32 v8, v15;
	v15 =	vand.u32 $0x7FFFFFFF, v6  }
0x66: {  	v13 =	vsel vm7, v13, v23;
	v23 =	vsub.f32 v53, v51;
	vm10 =	vge.f32 v15, $8.388608000e+06  }
0x67: {  	[tilespmem:s16+$0x40D0] =	vst v12;
	vm12 =	vge.f32 v54, $8.388608000e+06;
	v12 =	vsel vm13, $0x0, v16;
	v6 =	vsel vm10, v6, v14  }
0x68: {  	[tilespmem:s16+$0x40E0] =	vst v7;
	vm11 =	vlt.f32 v8, $0.0e+00;
	v7 =	vsel vm12, v10, v23;
	v10 =	vand.u32 $0x7FFFFFFF, v6  }
0x69: {  	vm14 =	vgt.f32 v8, $0.0e+00;
	v8 =	vand.u32 $0x7FFFFFFF, v12;
	v14 =	vmul.f32 v10, v0  }
0x6a: {  	v12 =	vld [tilespmem:s16+$0x4050];
	v15 =	vsub.f32 v41, v39;
	v13 =	vsub.f32 v13, v43;
	vm1 =	vmor vm14, vm11  }
0x6b: {  	v4 =	vsel vm1, $0x3F000000, v1;
	v7 =	vsub.f32 v7, v42;
	v14 =	vfloor.f32 v14  }
0x6c: {  	v15 =	vsel vm15, v5, v15;
	[tilespmem:s16+$0x4060] =	vst v13;
	v13 =	vmul.f32 $8.660253880e-01, v6;
	v14 =	vadd.f32 v14, v14  }
0x6d: {  	v6 =	vand.u32 $0x80000000, v6;
	[tilespmem:s16+$0x4070] =	vst v7;
	v7 =	vor.u32 v52, v8;
	v8 =	vand.u32 $0x7FFFFFFF, v15  }
0x6e: {  	[tilespmem:s16+$0x4080] =	vst v13;
	v13 =	vmul.f32 $8.660253880e-01, v15;
	v56 =	vmul.f32 v8, v0;
	v10 =	vsub.f32 v10, v14  }
0x6f: {  	v5 =	vadd.f32 v4, v12;
	vm4 =	vlt.f32 v7, $0.0e+00;
	vm6 =	vgt.f32 v7, $0.0e+00  }
0x70: {  	v14 =	vand.u32 $0x7FFFFFFF, v9;
	v7 =	vfloor.f32 v56;
	vm5 =	veq.f32 v10, $2.000000000e+00  }
0x71: {  	[tilespmem:s16+$0x4090] =	vst v13;
	v7 =	vadd.f32 v7, v7;
	v13 =	vmul.f32 v14, v0;
	v10 =	vsel vm5, $0x0, v10  }
0x72: {  	v12 =	vld [tilespmem:s16+$0x4000];
	v15 =	vand.u32 $0x80000000, v15;
	vm0 =	vmor vm6, vm4;
	v10 =	vand.u32 $0x7FFFFFFF, v10  }
0x73: {  	v7 =	vsub.f32 v8, v7;
	v8 =	vfloor.f32 v13;
	v6 =	vor.u32 v6, v10  }
0x74: {  	v13 =	vmul.f32 v50, v0;
	vm7 =	vlt.f32 v6, $0.0e+00;
	vm8 =	vgt.f32 v6, $0.0e+00  }
0x75: {  	v9 =	vand.u32 $0x80000000, v9;
	v8 =	vadd.f32 v8, v8;
	vm9 =	vmor vm8, vm7  }
0x76: {  	vm10 =	veq.f32 v7, $2.000000000e+00;
	v13 =	vfloor.f32 v13;
	v10 =	vsel vm9, $0x3F000000, v1  }
0x77: {  	v7 =	vsel vm10, $0x0, v7;
	v8 =	vsub.f32 v14, v8;
	v12 =	vadd.f32 v10, v12  }
0x78: {  	v6 =	vsel vm0, $0x3F000000, v1;
	v13 =	vadd.f32 v13, v13;
	v7 =	vand.u32 $0x7FFFFFFF, v7  }
0x79: {  	vm7 =	vlt.f32 v5, $0.0e+00;
	vm12 =	veq.f32 v8, $2.000000000e+00;
	vm11 =	vlt.f32 v12, $0.0e+00  }
0x7a: {  	v57 =	vld [tilespmem:s16+$0x4010];
	v7 =	vor.u32 v15, v7;
	v8 =	vsel vm12, $0x0, v8;
	v14 =	vsel vm11, $0xCB000000, v2  }
0x7b: {  	vm13 =	vgt.f32 v7, $0.0e+00;
	vm14 =	vlt.f32 v7, $0.0e+00;
	v58 =	vadd.f32 v14, v12  }
0x7c: {  	v7 =	vand.u32 $0x7FFFFFFF, v8;
	vm0 =	vmor vm13, vm14;
	v8 =	vld [tilespmem:s16+$0x4030];
	v15 =	vand.u32 $0x7FFFFFFF, v12  }
0x7d: {  	v7 =	vor.u32 v9, v7;
	vm15 =	vge.f32 v15, $8.388608000e+06;
	v9 =	vsub.f32 v58, v14  }
0x7e: {  	vm4 =	vlt.f32 v7, $0.0e+00;
	vm5 =	vgt.f32 v7, $0.0e+00;
	v14 =	vsel vm0, $0x3F000000, v1  }
0x7f: {  	vm6 =	vmor vm5, vm4;
	v7 =	vsel vm15, v12, v9;
	v12 =	vadd.f32 v14, v57  }
0x80: {  	v9 =	vsel vm6, $0x3F000000, v1;
	v7 =	vsub.f32 v7, v10;
	v10 =	vsub.f32 v50, v13  }
0x81: {  	v15 =	vadd.f32 v9, v8;
	v8 =	vand.u32 $0x80000000, v11;
	v13 =	vld [tilespmem:s16+$0x4020];
	vm8 =	vlt.f32 v12, $0.0e+00  }
0x82: {  	v61 =	vand.u32 $0x7FFFFFFF, v12;
	v11 =	vsel vm8, $0xCB000000, v2;
	vm9 =	veq.f32 v10, $2.000000000e+00  }
0x83: {  	[tilespmem:s16+$0x4000] =	vst v7;
	v7 =	vsel vm7, $0xCB000000, v2;
	vm10 =	vlt.f32 v15, $0.0e+00;
	v16 =	vadd.f32 v11, v12  }
0x84: {  	v60 =	vand.u32 $0x7FFFFFFF, v15;
	vm11 =	vge.f32 v61, $8.388608000e+06;
	v10 =	vsel vm9, $0x0, v10  }
0x85: {  	v62 =	vld [tilespmem:s16+$0x4040];
	v59 =	vsel vm10, $0xCB000000, v2;
	v10 =	vand.u32 $0x7FFFFFFF, v10;
	v11 =	vsub.f32 v16, v11  }
0x86: {  	v63 =	vadd.f32 v59, v15;
	v8 =	vor.u32 v8, v10;
	v10 =	vadd.f32 v6, v13  }
0x87: {  	[tilespmem:s16+$0x40F0] =	vst v35;
	vm12 =	vlt.f32 v8, $0.0e+00;
	vm13 =	vgt.f32 v8, $0.0e+00;
	v11 =	vsel vm11, v12, v11  }
0x88: {  	[tilespmem:s16+$0x40C0] =	vst v49;
	v12 =	vsub.f32 v63, v59;
	vm0 =	vmor vm13, vm12;
	v11 =	vsub.f32 v11, v14  }
0x89: {  	[tilespmem:s16+$0x40B0] =	vst v55;
	vm15 =	vge.f32 v60, $8.388608000e+06;
	vm14 =	vlt.f32 v10, $0.0e+00;
	v8 =	vsel vm0, $0x3F000000, v1  }
0x8a: {  	s17 =	simm.s32 $0x400;
	v13 =	vsel vm14, $0xCB000000, v2;
	v12 =	vsel vm15, v15, v12;
	[tilespmem:s16+$0x4010] =	vst v11;
	v11 =	vadd.f32 v8, v62  }
.LBB2_11:
0x8b: {  	s18 =	sshra.s32 s17, $0x2;
	p0 =	sne.s32 s17, $0xFC00;
	s17 =	sadd.s32 $0x400, s17;
	v3 =	vmul.f32 $8.660253880e-01, v3;
	v14 =	vadd.f32 v7, v5;
	v15 =	vand.u32 $0x7FFFFFFF, v5  }
0x8c: {  	v17 =	vadd.f32 v13, v10;
	v18 =	vand.u32 $0x7FFFFFFF, v10;
	v16 =	vld [tilespmem:s18+$0x40F0];
	vm0 =	vlt.f32 v11, $0.0e+00  }
0x8d: {  	v21 =	vand.u32 $0x7FFFFFFF, v11;
	v19 =	vld [tilespmem:s18+$0x40E0];
	v20 =	vsel vm0, $0xCB000000, v2;
	v7 =	vsub.f32 v14, v7  }
0x8e: {  	v13 =	vsub.f32 v17, v13;
	vm0 =	vge.f32 v15, $8.388608000e+06;
	v14 =	vld [tilespmem:s18+$0x40C0];
	[tilespmem:s16+$0x40A0] =	vst v3;
	v3 =	vadd.f32 v20, v11  }
0x8f: {  	vm1 =	vge.f32 v18, $8.388608000e+06;
	v15 =	vld [tilespmem:s18+$0x4080];
	v5 =	vsel vm0, v5, v7  }
0x90: {  	v9 =	vsub.f32 v12, v9;
	v7 =	vsel vm1, v10, v13;
	v17 =	vld [tilespmem:s18+$0x4090];
	v3 =	vsub.f32 v3, v20  }
0x91: {  	vm0 =	vge.f32 v21, $8.388608000e+06;
	v6 =	vsub.f32 v7, v6;
	v4 =	vsub.f32 v5, v4;
	v10 =	vld [tilespmem:s18+$0x40D0]  }
0x92: {  	v12 =	vld [tilespmem:s18+$0x40B0];
	[tilespmem:s16+$0x4030] =	vst v9;
	v3 =	vsel vm0, v11, v3  }
0x93: {  	v11 =	vmul.f32 $1.154700520e+00, v16;
	v9 =	vld [tilespmem:s18+$0x40A0];
	v7 =	vmul.f32 $1.154700520e+00, v14;
	[tilespmem:s16+$0x4020] =	vst v6;
	v3 =	vsub.f32 v3, v8  }
0x94: {  	v8 =	vmul.f32 $1.154700520e+00, v19;
	v6 =	vmul.f32 $1.154700520e+00, v15;
	[tilespmem:s16+$0x4050] =	vst v4  }
0x95: {  	v5 =	vmul.f32 $1.154700520e+00, v17;
	vm0 =	vlt.f32 v7, $0.0e+00;
	v13 =	vand.u32 $0x7FFFFFFF, v7;
	[tilespmem:s16+$0x4040] =	vst v3;
	s16 =	smov.u32 s18  }
0x96: {  	vm2 =	vlt.f32 v11, $0.0e+00;
	vm1 =	vlt.f32 v8, $0.0e+00;
	v3 =	vmul.f32 $1.154700520e+00, v10  }
0x97: {  	v10 =	vsel vm1, $0xCB000000, v2;
	v4 =	vmul.f32 $1.154700520e+00, v12;
	v12 =	vsel vm2, $0xCB000000, v2  }
0x98: {  	v15 =	vand.u32 $0x7FFFFFFF, v11;
	v14 =	vmul.f32 $1.154700520e+00, v9;
	v9 =	vadd.f32 v10, v8  }
0x99: {  	v17 =	vand.u32 $0x7FFFFFFF, v8;
	v18 =	vadd.f32 v12, v11;
	v16 =	vand.u32 $0x7FFFFFFF, v4  }
0x9a: {  	v19 =	vsel vm0, $0xCB000000, v2;
	vm0 =	vge.f32 v17, $8.388608000e+06;
	v9 =	vsub.f32 v9, v10  }
0x9b: {  	vm2 =	vge.f32 v15, $8.388608000e+06;
	v10 =	vand.u32 $0x7FFFFFFF, v14;
	v12 =	vsub.f32 v18, v12  }
0x9c: {  	vm1 =	vge.f32 v13, $8.388608000e+06;
	vm3 =	vlt.f32 v4, $0.0e+00;
	v8 =	vsel vm0, v8, v9  }
0x9d: {  	v9 =	vsel vm3, $0xCB000000, v2;
	vm0 =	vlt.f32 v3, $0.0e+00;
	v11 =	vsel vm2, v11, v12  }
0x9e: {  	vm3 =	vlt.f32 v14, $0.0e+00;
	v12 =	vand.u32 $0x7FFFFFFF, v8;
	v13 =	vand.u32 $0x7FFFFFFF, v11  }
0x9f: {  	v15 =	vsel vm0, $0xCB000000, v2;
	v18 =	vmul.f32 $8.660253880e-01, v11;
	v17 =	vmul.f32 v12, v0  }
0xa0: {  	vm0 =	vlt.f32 v6, $0.0e+00;
	v20 =	vadd.f32 v9, v4;
	v21 =	vmul.f32 v13, v0  }
0xa1: {  	vm2 =	vge.f32 v10, $8.388608000e+06;
	v10 =	vand.u32 $0x7FFFFFFF, v3;
	v17 =	vfloor.f32 v17;
	[tilespmem:s16+$0x40F0] =	vst v18  }
0xa2: {  	vm4 =	vge.f32 v10, $8.388608000e+06;
	v9 =	vsub.f32 v20, v9;
	v10 =	vfloor.f32 v21  }
0xa3: {  	v18 =	vsel vm3, $0xCB000000, v2;
	v17 =	vadd.f32 v17, v17;
	v10 =	vadd.f32 v10, v10  }
0xa4: {  	v22 =	vand.u32 $0x80000000, v8;
	v20 =	vsel vm0, $0xCB000000, v2;
	v21 =	vadd.f32 v18, v14  }
0xa5: {  	vm0 =	vge.f32 v16, $8.388608000e+06;
	v12 =	vsub.f32 v12, v17;
	v10 =	vsub.f32 v13, v10  }
0xa6: {  	v16 =	vadd.f32 v15, v3;
	vm3 =	vlt.f32 v5, $0.0e+00;
	v13 =	vsub.f32 v21, v18  }
0xa7: {  	v17 =	vsel vm3, $0xCB000000, v2;
	vm3 =	veq.f32 v12, $2.000000000e+00;
	vm5 =	veq.f32 v10, $2.000000000e+00  }
0xa8: {  	v15 =	vsub.f32 v16, v15;
	v12 =	vsel vm3, $0x0, v12;
	v10 =	vsel vm5, $0x0, v10  }
0xa9: {  	v11 =	vand.u32 $0x80000000, v11;
	v12 =	vand.u32 $0x7FFFFFFF, v12;
	v10 =	vand.u32 $0x7FFFFFFF, v10  }
0xaa: {  	v15 =	vsel vm4, v3, v15;
	v3 =	vor.u32 v22, v12;
	v10 =	vor.u32 v11, v10;
	v12 =	vld [tilespmem:s16+$0x4070]  }
0xab: {  	v11 =	vmul.f32 $8.660253880e-01, v15;
	vm3 =	vlt.f32 v10, $0.0e+00;
	vm4 =	vgt.f32 v10, $0.0e+00;
	v16 =	vld [tilespmem:s16+$0x4060]  }
0xac: {  	v10 =	vand.u32 $0x7FFFFFFF, v15;
	vm5 =	vlt.f32 v3, $0.0e+00;
	vm3 =	vmor vm4, vm3  }
0xad: {  	v18 =	vadd.f32 v17, v5;
	vm4 =	vgt.f32 v3, $0.0e+00;
	[tilespmem:s16+$0x40D0] =	vst v11;
	v11 =	vsel vm3, $0x3F000000, v1  }
0xae: {  	v21 =	vadd.f32 v19, v7;
	v22 =	vmul.f32 v10, v0;
	vm3 =	vmor vm4, vm5  }
0xaf: {  	v3 =	vsel vm2, v14, v13;
	v13 =	vsel vm3, $0x3F000000, v1;
	v12 =	vadd.f32 v11, v12  }
0xb0: {  	v14 =	vadd.f32 v20, v6;
	v22 =	vfloor.f32 v22;
	v16 =	vadd.f32 v13, v16  }
0xb1: {  	v19 =	vsub.f32 v21, v19;
	v23 =	vand.u32 $0x7FFFFFFF, v3;
	v21 =	vadd.f32 v22, v22  }
0xb2: {  	v8 =	vmul.f32 $8.660253880e-01, v8;
	vm2 =	vlt.f32 v16, $0.0e+00;
	v22 =	vand.u32 $0x7FFFFFFF, v16  }
0xb3: {  	v7 =	vsel vm1, v7, v19;
	v10 =	vsub.f32 v10, v21;
	v19 =	vsel vm2, $0xCB000000, v2  }
0xb4: {  	v24 =	vmul.f32 v23, v0;
	v21 =	vand.u32 $0x7FFFFFFF, v5;
	v25 =	vadd.f32 v19, v16;
	[tilespmem:s16+$0x40E0] =	vst v8  }
0xb5: {  	v26 =	vmul.f32 $8.660253880e-01, v7;
	vm1 =	vlt.f32 v12, $0.0e+00;
	v8 =	vand.u32 $0x7FFFFFFF, v7  }
0xb6: {  	v24 =	vfloor.f32 v24;
	v19 =	vsub.f32 v25, v19;
	v25 =	vsel vm1, $0xCB000000, v2  }
0xb7: {  	v24 =	vadd.f32 v24, v24;
	vm2 =	vge.f32 v22, $8.388608000e+06;
	vm1 =	veq.f32 v10, $2.000000000e+00;
	[tilespmem:s16+$0x40C0] =	vst v26  }
0xb8: {  	v22 =	vand.u32 $0x80000000, v3;
	v16 =	vsel vm2, v16, v19;
	v19 =	vand.u32 $0x7FFFFFFF, v12  }
0xb9: {  	v10 =	vsel vm1, $0x0, v10;
	v13 =	vsub.f32 v16, v13;
	v16 =	vadd.f32 v25, v12  }
0xba: {  	v15 =	vand.u32 $0x80000000, v15;
	v23 =	vsub.f32 v23, v24;
	v10 =	vand.u32 $0x7FFFFFFF, v10  }
0xbb: {  	v24 =	vand.u32 $0x7FFFFFFF, v6;
	v10 =	vor.u32 v15, v10;
	[tilespmem:s16+$0x4060] =	vst v13;
	v13 =	vsub.f32 v16, v25  }
0xbc: {  	v14 =	vsub.f32 v14, v20;
	vm2 =	vge.f32 v19, $8.388608000e+06;
	vm1 =	vlt.f32 v10, $0.0e+00  }
0xbd: {  	vm3 =	vge.f32 v24, $8.388608000e+06;
	vm4 =	veq.f32 v23, $2.000000000e+00;
	v12 =	vsel vm2, v12, v13  }
0xbe: {  	v13 =	vsel vm3, v6, v14;
	v6 =	vsel vm4, $0x0, v23;
	v11 =	vsub.f32 v12, v11  }
0xbf: {  	vm2 =	vgt.f32 v10, $0.0e+00;
	v12 =	vmul.f32 $8.660253880e-01, v13;
	v14 =	vand.u32 $0x7FFFFFFF, v13  }
0xc0: {  	v6 =	vand.u32 $0x7FFFFFFF, v6;
	vm1 =	vmor vm2, vm1;
	v10 =	vmul.f32 v14, v0;
	v15 =	vld [tilespmem:s16+$0x4050];
	[tilespmem:s16+$0x4070] =	vst v11  }
0xc1: {  	v9 =	vsel vm0, v4, v9;
	v4 =	vsel vm1, $0x3F000000, v1;
	v11 =	vsub.f32 v18, v17;
	[tilespmem:s16+$0x4080] =	vst v12  }
0xc2: {  	vm0 =	vge.f32 v21, $8.388608000e+06;
	v10 =	vfloor.f32 v10;
	v12 =	vmul.f32 $8.660253880e-01, v9  }
0xc3: {  	v6 =	vor.u32 v22, v6;
	v10 =	vadd.f32 v10, v10;
	v11 =	vsel vm0, v5, v11  }
0xc4: {  	v18 =	vand.u32 $0x7FFFFFFF, v9;
	v16 =	vmul.f32 $8.660253880e-01, v11;
	v17 =	vand.u32 $0x7FFFFFFF, v11;
	[tilespmem:s16+$0x40B0] =	vst v12  }
0xc5: {  	v10 =	vsub.f32 v14, v10;
	v12 =	vmul.f32 v17, v0;
	v5 =	vadd.f32 v4, v15  }
0xc6: {  	vm1 =	vgt.f32 v6, $0.0e+00;
	vm0 =	vlt.f32 v6, $0.0e+00;
	v14 =	vmul.f32 v18, v0;
	[tilespmem:s16+$0x4090] =	vst v16  }
0xc7: {  	vm0 =	vmor vm1, vm0;
	vm2 =	veq.f32 v10, $2.000000000e+00;
	v6 =	vfloor.f32 v12  }
0xc8: {  	v10 =	vsel vm2, $0x0, v10;
	v12 =	vadd.f32 v6, v6;
	v6 =	vsel vm0, $0x3F000000, v1  }
0xc9: {  	v13 =	vand.u32 $0x80000000, v13;
	vm0 =	vlt.f32 v5, $0.0e+00;
	v10 =	vand.u32 $0x7FFFFFFF, v10;
	v15 =	vld [tilespmem:s16+$0x4000]  }
0xca: {  	v10 =	vor.u32 v13, v10;
	v12 =	vsub.f32 v17, v12;
	v13 =	vmul.f32 v8, v0  }
0xcb: {  	vm1 =	vlt.f32 v10, $0.0e+00;
	vm2 =	vgt.f32 v10, $0.0e+00;
	v10 =	vfloor.f32 v14  }
0xcc: {  	vm1 =	vmor vm2, vm1;
	vm2 =	veq.f32 v12, $2.000000000e+00;
	v10 =	vadd.f32 v10, v10  }
0xcd: {  	v11 =	vand.u32 $0x80000000, v11;
	v14 =	vsel vm1, $0x3F000000, v1;
	v12 =	vsel vm2, $0x0, v12  }
0xce: {  	v12 =	vand.u32 $0x7FFFFFFF, v12;
	v10 =	vsub.f32 v18, v10;
	v15 =	vadd.f32 v14, v15  }
0xcf: {  	v9 =	vand.u32 $0x80000000, v9;
	v11 =	vor.u32 v11, v12;
	v12 =	vfloor.f32 v13  }
0xd0: {  	vm2 =	veq.f32 v10, $2.000000000e+00;
	vm1 =	vlt.f32 v15, $0.0e+00;
	v13 =	vand.u32 $0x7FFFFFFF, v15  }
0xd1: {  	v10 =	vsel vm2, $0x0, v10;
	v16 =	vsel vm1, $0xCB000000, v2;
	v17 =	vld [tilespmem:s16+$0x4010];
	vm1 =	vgt.f32 v11, $0.0e+00  }
0xd2: {  	vm2 =	vlt.f32 v11, $0.0e+00;
	v10 =	vand.u32 $0x7FFFFFFF, v10;
	v18 =	vadd.f32 v16, v15  }
0xd3: {  	vm1 =	vmor vm1, vm2;
	v9 =	vor.u32 v9, v10;
	v10 =	vadd.f32 v12, v12;
	v11 =	vld [tilespmem:s16+$0x4030]  }
0xd4: {  	v12 =	vsub.f32 v18, v16;
	v16 =	vsel vm1, $0x3F000000, v1  }
0xd5: {  	vm2 =	vlt.f32 v9, $0.0e+00;
	vm3 =	vgt.f32 v9, $0.0e+00;
	vm1 =	vge.f32 v13, $8.388608000e+06  }
0xd6: {  	v9 =	vsel vm1, v15, v12;
	v12 =	vadd.f32 v16, v17;
	vm1 =	vmor vm3, vm2  }
0xd7: {  	v8 =	vsub.f32 v8, v10;
	v13 =	vsub.f32 v9, v14;
	v9 =	vsel vm1, $0x3F000000, v1  }
0xd8: {  	v10 =	vand.u32 $0x80000000, v7;
	vm1 =	vlt.f32 v12, $0.0e+00;
	v11 =	vadd.f32 v9, v11  }
0xd9: {  	v7 =	vsel vm0, $0xCB000000, v2;
	[tilespmem:s16+$0x4000] =	vst v13;
	v13 =	vsel vm1, $0xCB000000, v2;
	v14 =	vld [tilespmem:s16+$0x4020];
	vm1 =	veq.f32 v8, $2.000000000e+00  }
0xda: {  	v15 =	vadd.f32 v13, v12;
	vm0 =	vlt.f32 v11, $0.0e+00;
	v8 =	vsel vm1, $0x0, v8  }
0xdb: {  	v18 =	vand.u32 $0x7FFFFFFF, v11;
	v17 =	vsel vm0, $0xCB000000, v2;
	v8 =	vand.u32 $0x7FFFFFFF, v8  }
0xdc: {  	v13 =	vsub.f32 v15, v13;
	v15 =	vand.u32 $0x7FFFFFFF, v12;
	v19 =	vld [tilespmem:s16+$0x4040];
	v8 =	vor.u32 v10, v8  }
.Ltmp5:
0xdd: {  	vm0 =	vge.f32 v15, $8.388608000e+06;
	v15 =	vadd.f32 v17, v11;
	vm1 =	vlt.f32 v8, $0.0e+00;
	(pc) =	sbr.rel @p0 .LBB2_11-.Ltmp5, $4  }
0xde: {  	v12 =	vsel vm0, v12, v13;
	v10 =	vadd.f32 v6, v14;
	vm0 =	vgt.f32 v8, $0.0e+00  }
0xdf: {  	v12 =	vsub.f32 v12, v16;
	v14 =	vsub.f32 v15, v17;
	vm0 =	vmor vm0, vm1  }
0xe0: {  	vm2 =	vge.f32 v18, $8.388608000e+06;
	vm1 =	vlt.f32 v10, $0.0e+00;
	v8 =	vsel vm0, $0x3F000000, v1  }
0xe1: {  	[tilespmem:s16+$0x4010] =	vst v12;
	v13 =	vsel vm1, $0xCB000000, v2;
	v12 =	vsel vm2, v11, v14;
	v11 =	vadd.f32 v8, v19  }
0xe2: {  	v3 =	vmul.f32 $8.660253880e-01, v3  }
0xe3: {  	v14 =	vadd.f32 v7, v5;
	v15 =	vadd.f32 v13, v10;
	vm0 =	vlt.f32 v11, $0.0e+00  }
0xe4: {  	v16 =	vand.u32 $0x7FFFFFFF, v5;
	v9 =	vsub.f32 v12, v9;
	v18 =	vsel vm0, $0xCB000000, v2  }
0xe5: {  	v17 =	vand.u32 $0x7FFFFFFF, v10;
	v13 =	vsub.f32 v15, v13;
	v59 =	vadd.f32 v18, v11  }
0xe6: {  	v19 =	vand.u32 $0x7FFFFFFF, v11;
	vm1 =	vge.f32 v17, $8.388608000e+06;
	v7 =	vsub.f32 v14, v7  }
0xe7: {  	vm14 =	vge.f32 v16, $8.388608000e+06;
	v60 =	vsel vm1, v10, v13;
	v61 =	vsub.f32 v59, v18  }
0xe8: {  	[tilespmem:s16+$0x40A0] =	vst v3;
	vm15 =	vge.f32 v19, $8.388608000e+06;
	v3 =	vsel vm14, v5, v7;
	v62 =	vsub.f32 v60, v6  }
.Ltmp6:
0xe9: {  	s17 =	sshll.u32 s15, $0xE;
	[tilespmem:s16+$0x4030] =	vst v9;
	v3 =	vsub.f32 v3, v4;
	v63 =	vsel vm15, v11, v61;
	(pc) =	sbr.rel .LBB2_13-.Ltmp6, $4  }
0xea: {  	s17 =	sadd.s32 s5, s17;
	[tilespmem:s16+$0x4020] =	vst v62;
	v4 =	vsub.f32 v63, v8  }
0xeb: {  	s17 =	sshrl.u32 s17, $0x3;
	[tilespmem:s16+$0x4050] =	vst v3  }
0xec: {  	s31 =	sadd.s32 s2, s17;
	[tilespmem:s16+$0x4040] =	vst v4  }
0xed: {  	[hbm4b:s31+s3] =	stream.linear.scatter [tilespmem:s10], [sflag:$0x4], $0x4000, $0x38;
	[tilespmem:$0x8000] =	vst v63  }
.LBB2_3:
0xee: {  	p0 =	seq.s32 s15, $0x0  }
.Ltmp7:
0xef: {  	_ = 	snop;
	(pc) =	sbr.rel @p0 .LBB2_6-.Ltmp7, $4  }
0xf0: {  	_ = 	snop  }
0xf1: {  	_ =	swait.ge [sflag:s13], $0x4000  }
0xf2: {  	[sflag:s13] =	ssyncset.done $0x0  }
0xf3: {  	[sflag:s13] =	ssyncadd.s32 $0xFFFFC000  }
0xf4: {  	p0 =	seq.s32 s15, $0xF  }
.Ltmp8:
0xf5: {  	_ = 	snop;
	(pc) =	sbr.rel @p0 .LBB2_7-.Ltmp8, $1  }
0xf6: {  	_ =	sdelay $0x3  }
0xf7: {  	_ =	swait.ge [sflag:s12], $0x4000  }
0xf8: {  	[sflag:s12] =	ssyncset.done $0x0  }
0xf9: {  	[sflag:s12] =	ssyncadd.s32 $0xFFFFC000  }
.LBB2_6:
0xfa: {  	s16 =	sshll.u32 s15, $0xE  }
0xfb: {  	s16 =	sadd.s32 s7, s16  }
0xfc: {  	s16 =	sshrl.u32 s16, $0x3  }
0xfd: {  	s16 =	sadd.s32 s1, s16  }
0xfe: {  	[tilespmem:s10], [sflag:$0x2] =	stream.linear.gather [hbm4b:s16+s3], $0x4000, $0x38;
	[tilespmem:$0x8000] =	vst v63  }
.LBB2_7:
0xff: {  	s16 =	simm.s32 $0x0  }
0x100: {  	v3 =	vld [tilespmem:s16+$0xF0]  }
0x101: {  	v4 =	vld [tilespmem:s16+$0xE0]  }
0x102: {  	v5 =	vld [tilespmem:s16+$0xC0]  }
0x103: {  	v6 =	vld [tilespmem:s16+$0x80]  }
0x104: {  	v7 =	vld [tilespmem:s16+$0x90]  }
0x105: {  	v8 =	vld [tilespmem:s16+$0xD0]  }
0x106: {  	v9 =	vld [tilespmem:s16+$0xB0]  }
0x107: {  	v10 =	vld [tilespmem:s16+$0xA0];
	_ =	sdelay $0x1  }
0x108: {  	v11 =	vmul.f32 $1.154700520e+00, v5;
	v3 =	vmul.f32 $1.154700520e+00, v3  }
0x109: {  	v12 =	vmul.f32 $1.154700520e+00, v4;
	v6 =	vmul.f32 $1.154700520e+00, v6  }
0x10a: {  	v5 =	vmul.f32 $1.154700520e+00, v7;
	v8 =	vmul.f32 $1.154700520e+00, v8  }
0x10b: {  	v4 =	vmul.f32 $1.154700520e+00, v9;
	v10 =	vmul.f32 $1.154700520e+00, v10;
	vm0 =	vlt.f32 v11, $0.0e+00  }
0x10c: {  	v7 =	vand.u32 $0x7FFFFFFF, v11;
	vm1 =	vlt.f32 v12, $0.0e+00;
	vm2 =	vlt.f32 v3, $0.0e+00  }
0x10d: {  	v15 =	vand.u32 $0x7FFFFFFF, v3;
	v16 =	vand.u32 $0x7FFFFFFF, v4;
	v18 =	vand.u32 $0x7FFFFFFF, v12  }
0x10e: {  	vm3 =	vlt.f32 v4, $0.0e+00;
	vm14 =	vlt.f32 v8, $0.0e+00;
	vm15 =	vlt.f32 v10, $0.0e+00  }
0x10f: {  	vm8 =	vlt.f32 v6, $0.0e+00;
	vm10 =	vlt.f32 v5, $0.0e+00;
	v48 =	vand.u32 $0x7FFFFFFF, v5  }
0x110: {  	v9 =	vsel vm1, $0xCB000000, v2;
	v13 =	vsel vm2, $0xCB000000, v2;
	v19 =	vsel vm0, $0xCB000000, v2  }
0x111: {  	vm12 =	vge.f32 v18, $8.388608000e+06;
	vm13 =	vge.f32 v15, $8.388608000e+06;
	vm1 =	vge.f32 v7, $8.388608000e+06  }
0x112: {  	v15 =	vsel vm14, $0xCB000000, v2;
	v37 =	vsel vm8, $0xCB000000, v2;
	v14 =	vadd.f32 v9, v12  }
0x113: {  	v39 =	vsel vm10, $0xCB000000, v2;
	v17 =	vadd.f32 v13, v3;
	v38 =	vadd.f32 v15, v8  }
0x114: {  	vm0 =	vge.f32 v16, $8.388608000e+06;
	v41 =	vadd.f32 v39, v5;
	v44 =	vadd.f32 v19, v11  }
0x115: {  	v9 =	vsub.f32 v14, v9;
	v14 =	vand.u32 $0x7FFFFFFF, v10;
	v13 =	vsub.f32 v17, v13  }
0x116: {  	v15 =	vsub.f32 v38, v15;
	v19 =	vsub.f32 v44, v19;
	vm9 =	vge.f32 v14, $8.388608000e+06  }
0x117: {  	v14 =	vand.u32 $0x7FFFFFFF, v8;
	v7 =	vsel vm12, v12, v9;
	v3 =	vsel vm13, v3, v13  }
0x118: {  	v9 =	vsel vm3, $0xCB000000, v2;
	vm4 =	vge.f32 v14, $8.388608000e+06;
	v13 =	vand.u32 $0x7FFFFFFF, v3  }
0x119: {  	v14 =	vsel vm15, $0xCB000000, v2;
	v12 =	vand.u32 $0x7FFFFFFF, v7;
	v21 =	vmul.f32 v13, v0  }
0x11a: {  	v11 =	vsel vm1, v11, v19;
	v20 =	vadd.f32 v9, v4;
	v34 =	vmul.f32 v12, v0  }
0x11b: {  	v35 =	vmul.f32 $8.660253880e-01, v3;
	v22 =	vadd.f32 v14, v10;
	v36 =	vfloor.f32 v21  }
0x11c: {  	v9 =	vsub.f32 v20, v9;
	v17 =	vfloor.f32 v34;
	v20 =	vadd.f32 v36, v36  }
0x11d: {  	v23 =	vand.u32 $0x80000000, v7;
	v3 =	vand.u32 $0x80000000, v3;
	v17 =	vadd.f32 v17, v17  }
0x11e: {  	v8 =	vsel vm4, v8, v15;
	v7 =	vmul.f32 $8.660253880e-01, v7;
	v13 =	vsub.f32 v13, v20  }
0x11f: {  	v49 =	vmul.f32 $8.660253880e-01, v11;
	v50 =	vand.u32 $0x7FFFFFFF, v11;
	v12 =	vsub.f32 v12, v17  }
0x120: {  	v40 =	vand.u32 $0x7FFFFFFF, v8;
	v14 =	vsub.f32 v22, v14;
	vm11 =	veq.f32 v13, $2.000000000e+00  }
0x121: {  	v24 =	vmul.f32 v40, v0;
	vm5 =	veq.f32 v12, $2.000000000e+00;
	v13 =	vsel vm11, $0x0, v13  }
0x122: {  	v9 =	vsel vm0, v4, v9;
	v12 =	vsel vm5, $0x0, v12;
	v13 =	vand.u32 $0x7FFFFFFF, v13  }
0x123: {  	v55 =	vmul.f32 $8.660253880e-01, v9;
	v12 =	vand.u32 $0x7FFFFFFF, v12;
	v3 =	vor.u32 v3, v13  }
0x124: {  	v15 =	vld [tilespmem:s16+$0x70];
	v12 =	vor.u32 v23, v12;
	vm12 =	vlt.f32 v3, $0.0e+00;
	vm13 =	vgt.f32 v3, $0.0e+00  }
0x125: {  	v13 =	vld [tilespmem:s16+$0x60];
	vm14 =	vlt.f32 v12, $0.0e+00;
	vm15 =	vgt.f32 v12, $0.0e+00;
	v12 =	vmul.f32 $8.660253880e-01, v8  }
0x126: {  	v3 =	vsel vm9, v10, v14;
	v14 =	vadd.f32 v37, v6;
	v8 =	vand.u32 $0x80000000, v8  }
0x127: {  	vm3 =	vmor vm13, vm12;
	vm4 =	vmor vm15, vm14;
	v45 =	vand.u32 $0x7FFFFFFF, v3  }
0x128: {  	v52 =	vand.u32 $0x80000000, v3;
	v42 =	vsel vm3, $0x3F000000, v1;
	v43 =	vsel vm4, $0x3F000000, v1  }
0x129: {  	v47 =	vmul.f32 v45, v0;
	v10 =	vadd.f32 v42, v15;
	v15 =	vfloor.f32 v24  }
0x12a: {  	vm15 =	vge.f32 v48, $8.388608000e+06;
	v13 =	vadd.f32 v43, v13;
	v15 =	vadd.f32 v15, v15  }
0x12b: {  	v14 =	vsub.f32 v14, v37;
	v16 =	vfloor.f32 v47;
	vm8 =	vlt.f32 v10, $0.0e+00  }
0x12c: {  	v16 =	vadd.f32 v16, v16;
	vm6 =	vlt.f32 v13, $0.0e+00;
	v15 =	vsub.f32 v40, v15  }
0x12d: {  	v54 =	vand.u32 $0x7FFFFFFF, v10;
	v25 =	vand.u32 $0x7FFFFFFF, v13;
	v46 =	vsel vm6, $0xCB000000, v2  }
0x12e: {  	v51 =	vsel vm8, $0xCB000000, v2;
	v26 =	vadd.f32 v46, v13;
	vm9 =	veq.f32 v15, $2.000000000e+00  }
0x12f: {  	vm7 =	vge.f32 v25, $8.388608000e+06;
	v16 =	vsub.f32 v45, v16;
	v15 =	vsel vm9, $0x0, v15  }
0x130: {  	v53 =	vadd.f32 v51, v10;
	v23 =	vsub.f32 v26, v46;
	v15 =	vand.u32 $0x7FFFFFFF, v15  }
0x131: {  	vm13 =	veq.f32 v16, $2.000000000e+00;
	v8 =	vor.u32 v8, v15;
	v15 =	vand.u32 $0x7FFFFFFF, v6  }
0x132: {  	v13 =	vsel vm7, v13, v23;
	v23 =	vsub.f32 v53, v51;
	vm10 =	vge.f32 v15, $8.388608000e+06  }
0x133: {  	[tilespmem:s16+$0xD0] =	vst v12;
	vm12 =	vge.f32 v54, $8.388608000e+06;
	v12 =	vsel vm13, $0x0, v16;
	v6 =	vsel vm10, v6, v14  }
0x134: {  	[tilespmem:s16+$0xE0] =	vst v7;
	vm11 =	vlt.f32 v8, $0.0e+00;
	v7 =	vsel vm12, v10, v23;
	v10 =	vand.u32 $0x7FFFFFFF, v6  }
0x135: {  	vm14 =	vgt.f32 v8, $0.0e+00;
	v8 =	vand.u32 $0x7FFFFFFF, v12;
	v14 =	vmul.f32 v10, v0  }
0x136: {  	v12 =	vld [tilespmem:s16+$0x50];
	v15 =	vsub.f32 v41, v39;
	v13 =	vsub.f32 v13, v43;
	vm1 =	vmor vm14, vm11  }
0x137: {  	v4 =	vsel vm1, $0x3F000000, v1;
	v7 =	vsub.f32 v7, v42;
	v14 =	vfloor.f32 v14  }
0x138: {  	v15 =	vsel vm15, v5, v15;
	[tilespmem:s16+$0x60] =	vst v13;
	v13 =	vmul.f32 $8.660253880e-01, v6;
	v14 =	vadd.f32 v14, v14  }
0x139: {  	v6 =	vand.u32 $0x80000000, v6;
	[tilespmem:s16+$0x70] =	vst v7;
	v7 =	vor.u32 v52, v8;
	v8 =	vand.u32 $0x7FFFFFFF, v15  }
0x13a: {  	[tilespmem:s16+$0x80] =	vst v13;
	v13 =	vmul.f32 $8.660253880e-01, v15;
	v56 =	vmul.f32 v8, v0;
	v10 =	vsub.f32 v10, v14  }
0x13b: {  	v5 =	vadd.f32 v4, v12;
	vm4 =	vlt.f32 v7, $0.0e+00;
	vm6 =	vgt.f32 v7, $0.0e+00  }
0x13c: {  	v14 =	vand.u32 $0x7FFFFFFF, v9;
	v7 =	vfloor.f32 v56;
	vm5 =	veq.f32 v10, $2.000000000e+00  }
0x13d: {  	[tilespmem:s16+$0x90] =	vst v13;
	v7 =	vadd.f32 v7, v7;
	v13 =	vmul.f32 v14, v0;
	v10 =	vsel vm5, $0x0, v10  }
0x13e: {  	v12 =	vld [tilespmem:s16+$0x0];
	v15 =	vand.u32 $0x80000000, v15;
	vm0 =	vmor vm6, vm4;
	v10 =	vand.u32 $0x7FFFFFFF, v10  }
0x13f: {  	v7 =	vsub.f32 v8, v7;
	v8 =	vfloor.f32 v13;
	v6 =	vor.u32 v6, v10  }
0x140: {  	v13 =	vmul.f32 v50, v0;
	vm7 =	vlt.f32 v6, $0.0e+00;
	vm8 =	vgt.f32 v6, $0.0e+00  }
0x141: {  	v9 =	vand.u32 $0x80000000, v9;
	v8 =	vadd.f32 v8, v8;
	vm9 =	vmor vm8, vm7  }
0x142: {  	vm10 =	veq.f32 v7, $2.000000000e+00;
	v13 =	vfloor.f32 v13;
	v10 =	vsel vm9, $0x3F000000, v1  }
0x143: {  	v7 =	vsel vm10, $0x0, v7;
	v8 =	vsub.f32 v14, v8;
	v12 =	vadd.f32 v10, v12  }
0x144: {  	v6 =	vsel vm0, $0x3F000000, v1;
	v13 =	vadd.f32 v13, v13;
	v7 =	vand.u32 $0x7FFFFFFF, v7  }
0x145: {  	vm7 =	vlt.f32 v5, $0.0e+00;
	vm12 =	veq.f32 v8, $2.000000000e+00;
	vm11 =	vlt.f32 v12, $0.0e+00  }
0x146: {  	v57 =	vld [tilespmem:s16+$0x10];
	v7 =	vor.u32 v15, v7;
	v8 =	vsel vm12, $0x0, v8;
	v14 =	vsel vm11, $0xCB000000, v2  }
0x147: {  	vm13 =	vgt.f32 v7, $0.0e+00;
	vm14 =	vlt.f32 v7, $0.0e+00;
	v58 =	vadd.f32 v14, v12  }
0x148: {  	v7 =	vand.u32 $0x7FFFFFFF, v8;
	vm0 =	vmor vm13, vm14;
	v8 =	vld [tilespmem:s16+$0x30];
	v15 =	vand.u32 $0x7FFFFFFF, v12  }
0x149: {  	v7 =	vor.u32 v9, v7;
	vm15 =	vge.f32 v15, $8.388608000e+06;
	v9 =	vsub.f32 v58, v14  }
0x14a: {  	vm4 =	vlt.f32 v7, $0.0e+00;
	vm5 =	vgt.f32 v7, $0.0e+00;
	v14 =	vsel vm0, $0x3F000000, v1  }
0x14b: {  	vm6 =	vmor vm5, vm4;
	v7 =	vsel vm15, v12, v9;
	v12 =	vadd.f32 v14, v57  }
0x14c: {  	v9 =	vsel vm6, $0x3F000000, v1;
	v7 =	vsub.f32 v7, v10;
	v10 =	vsub.f32 v50, v13  }
0x14d: {  	v15 =	vadd.f32 v9, v8;
	v8 =	vand.u32 $0x80000000, v11;
	v13 =	vld [tilespmem:s16+$0x20];
	vm8 =	vlt.f32 v12, $0.0e+00  }
0x14e: {  	v61 =	vand.u32 $0x7FFFFFFF, v12;
	v11 =	vsel vm8, $0xCB000000, v2;
	vm9 =	veq.f32 v10, $2.000000000e+00  }
0x14f: {  	[tilespmem:s16+$0x0] =	vst v7;
	v7 =	vsel vm7, $0xCB000000, v2;
	vm10 =	vlt.f32 v15, $0.0e+00;
	v16 =	vadd.f32 v11, v12  }
0x150: {  	v60 =	vand.u32 $0x7FFFFFFF, v15;
	vm11 =	vge.f32 v61, $8.388608000e+06;
	v10 =	vsel vm9, $0x0, v10  }
0x151: {  	v62 =	vld [tilespmem:s16+$0x40];
	v59 =	vsel vm10, $0xCB000000, v2;
	v10 =	vand.u32 $0x7FFFFFFF, v10;
	v11 =	vsub.f32 v16, v11  }
0x152: {  	v63 =	vadd.f32 v59, v15;
	v8 =	vor.u32 v8, v10;
	v10 =	vadd.f32 v6, v13  }
0x153: {  	[tilespmem:s16+$0xF0] =	vst v35;
	vm12 =	vlt.f32 v8, $0.0e+00;
	vm13 =	vgt.f32 v8, $0.0e+00;
	v11 =	vsel vm11, v12, v11  }
0x154: {  	[tilespmem:s16+$0xC0] =	vst v49;
	v12 =	vsub.f32 v63, v59;
	vm0 =	vmor vm13, vm12;
	v11 =	vsub.f32 v11, v14  }
0x155: {  	[tilespmem:s16+$0xB0] =	vst v55;
	vm15 =	vge.f32 v60, $8.388608000e+06;
	vm14 =	vlt.f32 v10, $0.0e+00;
	v8 =	vsel vm0, $0x3F000000, v1  }
0x156: {  	s17 =	simm.s32 $0x400;
	v13 =	vsel vm14, $0xCB000000, v2;
	v12 =	vsel vm15, v15, v12;
	[tilespmem:s16+$0x10] =	vst v11;
	v11 =	vadd.f32 v8, v62  }
.LBB2_8:
0x157: {  	s18 =	sshra.s32 s17, $0x2;
	p0 =	sne.s32 s17, $0xFC00;
	s17 =	sadd.s32 $0x400, s17;
	v3 =	vmul.f32 $8.660253880e-01, v3;
	v14 =	vadd.f32 v7, v5;
	v15 =	vand.u32 $0x7FFFFFFF, v5  }
0x158: {  	v17 =	vadd.f32 v13, v10;
	v18 =	vand.u32 $0x7FFFFFFF, v10;
	vm0 =	vlt.f32 v11, $0.0e+00;
	v16 =	vld [tilespmem:s18+$0xF0]  }
0x159: {  	v21 =	vand.u32 $0x7FFFFFFF, v11;
	v20 =	vsel vm0, $0xCB000000, v2;
	v19 =	vld [tilespmem:s18+$0xE0];
	v7 =	vsub.f32 v14, v7  }
0x15a: {  	vm0 =	vge.f32 v15, $8.388608000e+06;
	v13 =	vsub.f32 v17, v13;
	v14 =	vld [tilespmem:s18+$0xC0];
	[tilespmem:s16+$0xA0] =	vst v3;
	v3 =	vadd.f32 v20, v11  }
0x15b: {  	vm1 =	vge.f32 v18, $8.388608000e+06;
	v15 =	vld [tilespmem:s18+$0x80];
	v5 =	vsel vm0, v5, v7  }
0x15c: {  	v9 =	vsub.f32 v12, v9;
	v7 =	vsel vm1, v10, v13;
	v17 =	vld [tilespmem:s18+$0x90];
	v3 =	vsub.f32 v3, v20  }
0x15d: {  	vm0 =	vge.f32 v21, $8.388608000e+06;
	v6 =	vsub.f32 v7, v6;
	v4 =	vsub.f32 v5, v4;
	v10 =	vld [tilespmem:s18+$0xD0]  }
0x15e: {  	v12 =	vld [tilespmem:s18+$0xB0];
	[tilespmem:s16+$0x30] =	vst v9;
	v3 =	vsel vm0, v11, v3  }
0x15f: {  	v11 =	vmul.f32 $1.154700520e+00, v16;
	v9 =	vld [tilespmem:s18+$0xA0];
	v7 =	vmul.f32 $1.154700520e+00, v14;
	[tilespmem:s16+$0x20] =	vst v6;
	v3 =	vsub.f32 v3, v8  }
0x160: {  	v8 =	vmul.f32 $1.154700520e+00, v19;
	v6 =	vmul.f32 $1.154700520e+00, v15;
	[tilespmem:s16+$0x50] =	vst v4  }
0x161: {  	v5 =	vmul.f32 $1.154700520e+00, v17;
	vm0 =	vlt.f32 v7, $0.0e+00;
	v13 =	vand.u32 $0x7FFFFFFF, v7;
	[tilespmem:s16+$0x40] =	vst v3;
	s16 =	smov.u32 s18  }
0x162: {  	vm2 =	vlt.f32 v11, $0.0e+00;
	vm1 =	vlt.f32 v8, $0.0e+00;
	v3 =	vmul.f32 $1.154700520e+00, v10  }
0x163: {  	v10 =	vsel vm1, $0xCB000000, v2;
	v4 =	vmul.f32 $1.154700520e+00, v12;
	v12 =	vsel vm2, $0xCB000000, v2  }
0x164: {  	v15 =	vand.u32 $0x7FFFFFFF, v11;
	v14 =	vmul.f32 $1.154700520e+00, v9;
	v9 =	vadd.f32 v10, v8  }
0x165: {  	v17 =	vand.u32 $0x7FFFFFFF, v8;
	v18 =	vadd.f32 v12, v11;
	v16 =	vand.u32 $0x7FFFFFFF, v4  }
0x166: {  	v19 =	vsel vm0, $0xCB000000, v2;
	vm0 =	vge.f32 v17, $8.388608000e+06;
	v9 =	vsub.f32 v9, v10  }
0x167: {  	vm2 =	vge.f32 v15, $8.388608000e+06;
	v10 =	vand.u32 $0x7FFFFFFF, v14;
	v12 =	vsub.f32 v18, v12  }
0x168: {  	vm1 =	vge.f32 v13, $8.388608000e+06;
	vm3 =	vlt.f32 v4, $0.0e+00;
	v8 =	vsel vm0, v8, v9  }
0x169: {  	v9 =	vsel vm3, $0xCB000000, v2;
	vm0 =	vlt.f32 v3, $0.0e+00;
	v11 =	vsel vm2, v11, v12  }
0x16a: {  	vm3 =	vlt.f32 v14, $0.0e+00;
	v12 =	vand.u32 $0x7FFFFFFF, v8;
	v13 =	vand.u32 $0x7FFFFFFF, v11  }
0x16b: {  	v15 =	vsel vm0, $0xCB000000, v2;
	v18 =	vmul.f32 $8.660253880e-01, v11;
	v17 =	vmul.f32 v12, v0  }
0x16c: {  	vm0 =	vlt.f32 v6, $0.0e+00;
	v20 =	vadd.f32 v9, v4;
	v21 =	vmul.f32 v13, v0  }
0x16d: {  	vm2 =	vge.f32 v10, $8.388608000e+06;
	v10 =	vand.u32 $0x7FFFFFFF, v3;
	v17 =	vfloor.f32 v17;
	[tilespmem:s16+$0xF0] =	vst v18  }
0x16e: {  	vm4 =	vge.f32 v10, $8.388608000e+06;
	v9 =	vsub.f32 v20, v9;
	v10 =	vfloor.f32 v21  }
0x16f: {  	v18 =	vsel vm3, $0xCB000000, v2;
	v17 =	vadd.f32 v17, v17;
	v10 =	vadd.f32 v10, v10  }
0x170: {  	v22 =	vand.u32 $0x80000000, v8;
	v20 =	vsel vm0, $0xCB000000, v2;
	v21 =	vadd.f32 v18, v14  }
0x171: {  	vm0 =	vge.f32 v16, $8.388608000e+06;
	v12 =	vsub.f32 v12, v17;
	v10 =	vsub.f32 v13, v10  }
0x172: {  	v16 =	vadd.f32 v15, v3;
	vm3 =	vlt.f32 v5, $0.0e+00;
	v13 =	vsub.f32 v21, v18  }
0x173: {  	v17 =	vsel vm3, $0xCB000000, v2;
	vm3 =	veq.f32 v12, $2.000000000e+00;
	vm5 =	veq.f32 v10, $2.000000000e+00  }
0x174: {  	v15 =	vsub.f32 v16, v15;
	v12 =	vsel vm3, $0x0, v12;
	v10 =	vsel vm5, $0x0, v10  }
0x175: {  	v11 =	vand.u32 $0x80000000, v11;
	v12 =	vand.u32 $0x7FFFFFFF, v12;
	v10 =	vand.u32 $0x7FFFFFFF, v10  }
0x176: {  	v15 =	vsel vm4, v3, v15;
	v3 =	vor.u32 v22, v12;
	v10 =	vor.u32 v11, v10;
	v12 =	vld [tilespmem:s16+$0x70]  }
0x177: {  	v11 =	vmul.f32 $8.660253880e-01, v15;
	vm3 =	vlt.f32 v10, $0.0e+00;
	vm4 =	vgt.f32 v10, $0.0e+00;
	v16 =	vld [tilespmem:s16+$0x60]  }
0x178: {  	v10 =	vand.u32 $0x7FFFFFFF, v15;
	vm5 =	vlt.f32 v3, $0.0e+00;
	vm3 =	vmor vm4, vm3  }
0x179: {  	v18 =	vadd.f32 v17, v5;
	vm4 =	vgt.f32 v3, $0.0e+00;
	[tilespmem:s16+$0xD0] =	vst v11;
	v11 =	vsel vm3, $0x3F000000, v1  }
0x17a: {  	v21 =	vadd.f32 v19, v7;
	v22 =	vmul.f32 v10, v0;
	vm3 =	vmor vm4, vm5  }
0x17b: {  	v3 =	vsel vm2, v14, v13;
	v13 =	vsel vm3, $0x3F000000, v1;
	v12 =	vadd.f32 v11, v12  }
0x17c: {  	v14 =	vadd.f32 v20, v6;
	v22 =	vfloor.f32 v22;
	v16 =	vadd.f32 v13, v16  }
0x17d: {  	v19 =	vsub.f32 v21, v19;
	v23 =	vand.u32 $0x7FFFFFFF, v3;
	v21 =	vadd.f32 v22, v22  }
0x17e: {  	v8 =	vmul.f32 $8.660253880e-01, v8;
	vm2 =	vlt.f32 v16, $0.0e+00;
	v22 =	vand.u32 $0x7FFFFFFF, v16  }
0x17f: {  	v7 =	vsel vm1, v7, v19;
	v10 =	vsub.f32 v10, v21;
	v19 =	vsel vm2, $0xCB000000, v2  }
0x180: {  	v24 =	vmul.f32 v23, v0;
	v21 =	vand.u32 $0x7FFFFFFF, v5;
	v25 =	vadd.f32 v19, v16;
	[tilespmem:s16+$0xE0] =	vst v8  }
0x181: {  	v26 =	vmul.f32 $8.660253880e-01, v7;
	vm1 =	vlt.f32 v12, $0.0e+00;
	v8 =	vand.u32 $0x7FFFFFFF, v7  }
0x182: {  	v24 =	vfloor.f32 v24;
	v19 =	vsub.f32 v25, v19;
	v25 =	vsel vm1, $0xCB000000, v2  }
0x183: {  	v24 =	vadd.f32 v24, v24;
	vm2 =	vge.f32 v22, $8.388608000e+06;
	vm1 =	veq.f32 v10, $2.000000000e+00;
	[tilespmem:s16+$0xC0] =	vst v26  }
0x184: {  	v22 =	vand.u32 $0x80000000, v3;
	v16 =	vsel vm2, v16, v19;
	v19 =	vand.u32 $0x7FFFFFFF, v12  }
0x185: {  	v10 =	vsel vm1, $0x0, v10;
	v13 =	vsub.f32 v16, v13;
	v16 =	vadd.f32 v25, v12  }
0x186: {  	v15 =	vand.u32 $0x80000000, v15;
	v23 =	vsub.f32 v23, v24;
	v10 =	vand.u32 $0x7FFFFFFF, v10  }
0x187: {  	v24 =	vand.u32 $0x7FFFFFFF, v6;
	v10 =	vor.u32 v15, v10;
	[tilespmem:s16+$0x60] =	vst v13;
	v13 =	vsub.f32 v16, v25  }
0x188: {  	v14 =	vsub.f32 v14, v20;
	vm2 =	vge.f32 v19, $8.388608000e+06;
	vm1 =	vlt.f32 v10, $0.0e+00  }
0x189: {  	vm3 =	vge.f32 v24, $8.388608000e+06;
	vm4 =	veq.f32 v23, $2.000000000e+00;
	v12 =	vsel vm2, v12, v13  }
0x18a: {  	v13 =	vsel vm3, v6, v14;
	v6 =	vsel vm4, $0x0, v23;
	v11 =	vsub.f32 v12, v11  }
0x18b: {  	vm2 =	vgt.f32 v10, $0.0e+00;
	v12 =	vmul.f32 $8.660253880e-01, v13;
	v14 =	vand.u32 $0x7FFFFFFF, v13  }
0x18c: {  	v6 =	vand.u32 $0x7FFFFFFF, v6;
	vm1 =	vmor vm2, vm1;
	v10 =	vmul.f32 v14, v0;
	v15 =	vld [tilespmem:s16+$0x50];
	[tilespmem:s16+$0x70] =	vst v11  }
0x18d: {  	v9 =	vsel vm0, v4, v9;
	v4 =	vsel vm1, $0x3F000000, v1;
	v11 =	vsub.f32 v18, v17;
	[tilespmem:s16+$0x80] =	vst v12  }
0x18e: {  	vm0 =	vge.f32 v21, $8.388608000e+06;
	v10 =	vfloor.f32 v10;
	v12 =	vmul.f32 $8.660253880e-01, v9  }
0x18f: {  	v6 =	vor.u32 v22, v6;
	v10 =	vadd.f32 v10, v10;
	v11 =	vsel vm0, v5, v11  }
0x190: {  	v18 =	vand.u32 $0x7FFFFFFF, v9;
	v16 =	vmul.f32 $8.660253880e-01, v11;
	v17 =	vand.u32 $0x7FFFFFFF, v11;
	[tilespmem:s16+$0xB0] =	vst v12  }
0x191: {  	v10 =	vsub.f32 v14, v10;
	v12 =	vmul.f32 v17, v0;
	v5 =	vadd.f32 v4, v15  }
0x192: {  	vm1 =	vgt.f32 v6, $0.0e+00;
	vm0 =	vlt.f32 v6, $0.0e+00;
	v14 =	vmul.f32 v18, v0;
	[tilespmem:s16+$0x90] =	vst v16  }
0x193: {  	vm0 =	vmor vm1, vm0;
	vm2 =	veq.f32 v10, $2.000000000e+00;
	v6 =	vfloor.f32 v12  }
0x194: {  	v10 =	vsel vm2, $0x0, v10;
	v12 =	vadd.f32 v6, v6;
	v6 =	vsel vm0, $0x3F000000, v1  }
0x195: {  	v13 =	vand.u32 $0x80000000, v13;
	vm0 =	vlt.f32 v5, $0.0e+00;
	v10 =	vand.u32 $0x7FFFFFFF, v10;
	v15 =	vld [tilespmem:s16+$0x0]  }
0x196: {  	v10 =	vor.u32 v13, v10;
	v12 =	vsub.f32 v17, v12;
	v13 =	vmul.f32 v8, v0  }
0x197: {  	vm1 =	vlt.f32 v10, $0.0e+00;
	vm2 =	vgt.f32 v10, $0.0e+00;
	v10 =	vfloor.f32 v14  }
0x198: {  	vm1 =	vmor vm2, vm1;
	vm2 =	veq.f32 v12, $2.000000000e+00;
	v10 =	vadd.f32 v10, v10  }
0x199: {  	v11 =	vand.u32 $0x80000000, v11;
	v14 =	vsel vm1, $0x3F000000, v1;
	v12 =	vsel vm2, $0x0, v12  }
0x19a: {  	v12 =	vand.u32 $0x7FFFFFFF, v12;
	v10 =	vsub.f32 v18, v10;
	v15 =	vadd.f32 v14, v15  }
0x19b: {  	v9 =	vand.u32 $0x80000000, v9;
	v11 =	vor.u32 v11, v12;
	v12 =	vfloor.f32 v13  }
0x19c: {  	vm2 =	veq.f32 v10, $2.000000000e+00;
	vm1 =	vlt.f32 v15, $0.0e+00;
	v13 =	vand.u32 $0x7FFFFFFF, v15  }
0x19d: {  	v10 =	vsel vm2, $0x0, v10;
	v16 =	vsel vm1, $0xCB000000, v2;
	v17 =	vld [tilespmem:s16+$0x10];
	vm1 =	vgt.f32 v11, $0.0e+00  }
0x19e: {  	vm2 =	vlt.f32 v11, $0.0e+00;
	v10 =	vand.u32 $0x7FFFFFFF, v10;
	v18 =	vadd.f32 v16, v15  }
0x19f: {  	vm1 =	vmor vm1, vm2;
	v9 =	vor.u32 v9, v10;
	v10 =	vadd.f32 v12, v12;
	v11 =	vld [tilespmem:s16+$0x30]  }
0x1a0: {  	v12 =	vsub.f32 v18, v16;
	v16 =	vsel vm1, $0x3F000000, v1  }
0x1a1: {  	vm2 =	vlt.f32 v9, $0.0e+00;
	vm3 =	vgt.f32 v9, $0.0e+00;
	vm1 =	vge.f32 v13, $8.388608000e+06  }
0x1a2: {  	v9 =	vsel vm1, v15, v12;
	v12 =	vadd.f32 v16, v17;
	vm1 =	vmor vm3, vm2  }
0x1a3: {  	v8 =	vsub.f32 v8, v10;
	v13 =	vsub.f32 v9, v14;
	v9 =	vsel vm1, $0x3F000000, v1  }
0x1a4: {  	v10 =	vand.u32 $0x80000000, v7;
	vm1 =	vlt.f32 v12, $0.0e+00;
	v11 =	vadd.f32 v9, v11  }
0x1a5: {  	v7 =	vsel vm0, $0xCB000000, v2;
	[tilespmem:s16+$0x0] =	vst v13;
	v13 =	vsel vm1, $0xCB000000, v2;
	v14 =	vld [tilespmem:s16+$0x20];
	vm1 =	veq.f32 v8, $2.000000000e+00  }
0x1a6: {  	v15 =	vadd.f32 v13, v12;
	vm0 =	vlt.f32 v11, $0.0e+00;
	v8 =	vsel vm1, $0x0, v8  }
0x1a7: {  	v18 =	vand.u32 $0x7FFFFFFF, v11;
	v17 =	vsel vm0, $0xCB000000, v2;
	v8 =	vand.u32 $0x7FFFFFFF, v8  }
0x1a8: {  	v13 =	vsub.f32 v15, v13;
	v15 =	vand.u32 $0x7FFFFFFF, v12;
	v19 =	vld [tilespmem:s16+$0x40];
	v8 =	vor.u32 v10, v8  }
.Ltmp9:
0x1a9: {  	vm0 =	vge.f32 v15, $8.388608000e+06;
	v15 =	vadd.f32 v17, v11;
	vm1 =	vlt.f32 v8, $0.0e+00;
	(pc) =	sbr.rel @p0 .LBB2_8-.Ltmp9, $4  }
0x1aa: {  	v12 =	vsel vm0, v12, v13;
	v10 =	vadd.f32 v6, v14;
	vm0 =	vgt.f32 v8, $0.0e+00  }
0x1ab: {  	v12 =	vsub.f32 v12, v16;
	v14 =	vsub.f32 v15, v17;
	vm0 =	vmor vm0, vm1  }
0x1ac: {  	vm2 =	vge.f32 v18, $8.388608000e+06;
	vm1 =	vlt.f32 v10, $0.0e+00;
	v8 =	vsel vm0, $0x3F000000, v1  }
0x1ad: {  	[tilespmem:s16+$0x10] =	vst v12;
	v13 =	vsel vm1, $0xCB000000, v2;
	v12 =	vsel vm2, v11, v14;
	v11 =	vadd.f32 v8, v19  }
.Ltmp10:
0x1ae: {  	_ = 	snop;
	(pc) =	sbr.rel .LBB2_9-.Ltmp10, $1  }
0x1af: {  	_ =	sdelay $0x3  }
.LBB2_15:
0x1b0: {  	_ =	sfence.sel $0x180000  }
0x1b1: {  	[bflag:$0x0] =	sbarrier.arrive $0xFFFF  }
0x1b2: {  	p0 =	sne.s32 s4, $0x0;
	_ =	strace $0x90000047  }
0x1b3: {  	s0 =	sadd.s32 @!p0 $0x100000, s0;
	[bflag:$0x2] =	sbarrier.arrive $0xFFFF  }
0x1b4: {  	[sflag:s0] =	ssyncadd.tile.s32 @!p0 $0x1;
	_ =	shalt  }
.Lfunc_end2:
_tile_overlayer_lowered:
.L_overlay_start_2:
0x1b5: {  	(tag) =	ssettag $0x2  }
0x1b6: {  	s0 =	rddreg [dreg:$0x0];
	s2 =	stileid.u32  }
0x1b7: {  	s1 =	rddreg [dreg:$0x1];
	p0 =	sne.s32 s2, $0x0  }
0x1b8: {  	s3 =	rddreg [dreg:$0x2];
	[bflag:$0x3] =	sbarrier.arrive $0xFFFF;
	s2 =	simm.s32 @!p0 $0x1C05  }
0x1b9: {  	[timem:s3], [sflag:s2] =	dma.local @!p0 [hbm:s0], s1  }
0x1ba: {  	s0 =	simm.s32 @!p0 $0x5  }
0x1bb: {  	_ =	swait.ge @!p0 [sflag:s0], s1  }
0x1bc: {  	s1 =	ssub.s32 @!p0 $0x0, s1;
	[sflag:s0] =	ssyncset.done @!p0 $0x0  }
0x1bd: {  	[sflag:s0] =	ssyncadd.s32 @!p0 s1  }
0x1be: {  	[bflag:$0x3] =	sbarrier.arrive $0xFFFF  }
0x1bf: {  	_ =	shalt  }

</sc_bundles>
